<compile_context>
chip_gen: v7x
topology: tpu7x:2x2x1
jax: 0.10.2.dev20260603
libtpu: 0.0.44.dev20260713+nightly
codegen_flags: <defaults>
</compile_context>

<pallas_src>
import functools

import jax
import jax.numpy as jnp
from jax import lax
from jax.experimental import pallas as pl
from jax.experimental.pallas import tpu as pltpu
from jax.experimental.pallas import tpu_sc as plsc

_B = 16
_N = 3136
_K = 2352
_SPN = 49
_REP_C = 336
_NC = _K // _REP_C
_SEG = _N // 16
_NB = 256


def _bcast_body(row_ref, out_ref):
    out_ref[0] = jnp.broadcast_to(row_ref[0], (_REP_C, _N))


def _sc_topk_body(seq_ref, idx_out_ref, kf, keyA, idxA, keyB, idxB, counts):
    c = lax.axis_index("c")
    s = lax.axis_index("s")
    wid = s * 2 + c
    lane = lax.iota(jnp.int32, 16)
    ones = jnp.ones((16,), jnp.int32)

    @pl.when(wid < _B)
    def _():
        pltpu.sync_copy(seq_ref.at[wid], kf)

        def initbody(i, carry):
            b = kf[pl.ds(i * 16, 16)]
            m = jnp.where(b < 0, b ^ 0x7FFFFFFF, b)
            keyA[pl.ds(i * 16, 16)] = ~(m ^ (-0x80000000))
            idxA[pl.ds(i * 16, 16)] = lane + i * 16
            return carry

        lax.fori_loop(0, _N // 16, initbody, 0)

        for p in range(4):
            src_k, src_i = (keyA, idxA) if p % 2 == 0 else (keyB, idxB)
            dst_k, dst_i = (keyB, idxB) if p % 2 == 0 else (keyA, idxA)
            shift = 8 * p

            def zbody(i, carry):
                counts[pl.ds(i * 16, 16)] = jnp.zeros((16,), jnp.int32)
                return carry

            lax.fori_loop(0, _NB, zbody, 0)

            def hbody(cc, carry):
                k = plsc.load_gather(src_k, [lane * _SEG + cc])
                d = lax.shift_right_logical(k, shift) & 0xFF
                plsc.addupdate_scatter(counts, [d * 16 + lane], ones)
                return carry

            lax.fori_loop(0, _SEG, hbody, 0)

            def sbody(dd, run):
                v = counts[pl.ds(dd * 16, 16)]
                cs = plsc.cumsum(v)
                counts[pl.ds(dd * 16, 16)] = cs - v + run
                return run + jnp.sum(v)

            lax.fori_loop(0, _NB, sbody, jnp.int32(0))

            def pbody(cc, carry):
                g = lane * _SEG + cc
                k = plsc.load_gather(src_k, [g])
                ii = plsc.load_gather(src_i, [g])
                d = lax.shift_right_logical(k, shift) & 0xFF
                pos = plsc.load_gather(counts, [d * 16 + lane])
                plsc.store_scatter(dst_k, [pos], k)
                plsc.store_scatter(dst_i, [pos], ii)
                plsc.addupdate_scatter(counts, [d * 16 + lane], ones)
                return carry

            lax.fori_loop(0, _SEG, pbody, 0)

        pltpu.sync_copy(idxA.at[pl.ds(0, _K)], idx_out_ref.at[wid])


def _sc_topk(seq_logits):
    mesh = plsc.VectorSubcoreMesh(core_axis_name="c", subcore_axis_name="s")
    f = functools.partial(
        pl.kernel,
        mesh=mesh,
        compiler_params=pltpu.CompilerParams(needs_layout_passes=False, use_tc_tiling_on_sc=False),
        out_type=jax.ShapeDtypeStruct((_B, _K), jnp.int32),
        scratch_types=[
            pltpu.VMEM((_N,), jnp.int32),
            pltpu.VMEM((_N,), jnp.int32),
            pltpu.VMEM((_N,), jnp.int32),
            pltpu.VMEM((_N,), jnp.int32),
            pltpu.VMEM((_N,), jnp.int32),
            pltpu.VMEM((_NB * 16,), jnp.int32),
        ],
    )(_sc_topk_body)
    return f(lax.bitcast_convert_type(seq_logits, jnp.int32))


def _mask_body(mi_ref, out_ref):
    mi = mi_ref[...].astype(jnp.float32)
    pos = jax.lax.broadcasted_iota(jnp.int32, (1, _N), 1)
    r = pos % 196
    h = r // 14
    w = pos % 14
    spn = (h // 2) * 7 + (w // 2)
    srow = jax.lax.broadcasted_iota(jnp.int32, (_SPN, 1), 0)
    e = (spn == srow).astype(jnp.float32)
    idx_pp = jnp.dot(mi, e, preferred_element_type=jnp.float32)
    idx_i = idx_pp.astype(jnp.int32)
    t = pos // 196
    c = (h % 2) * 2 + (w % 2)
    target = (c - t + 1) % 4
    out_ref[...] = jnp.where(idx_i == jnp.broadcast_to(target, (_B, _N)),
                             jnp.float32(1.0), jnp.float32(0.0))


def kernel(x, mask_index, seq_logits, mask_shape):
    del x, mask_shape
    seq3 = seq_logits.reshape(_B, 1, _N)
    seq_rep = pl.pallas_call(
        _bcast_body,
        grid=(_B, _NC),
        in_specs=[pl.BlockSpec((1, 1, _N), lambda b, c: (b, 0, 0))],
        out_specs=pl.BlockSpec((1, _REP_C, _N), lambda b, c: (b, c, 0)),
        out_shape=jax.ShapeDtypeStruct((_B, _K, _N), jnp.float32),
    )(seq3)

    indices = _sc_topk(seq_logits)

    mask = pl.pallas_call(
        _mask_body,
        in_specs=[pl.BlockSpec((_B, _SPN), lambda: (0, 0))],
        out_specs=pl.BlockSpec((_B, _N), lambda: (0, 0)),
        out_shape=jax.ShapeDtypeStruct((_B, _N), jnp.float32),
    )(mask_index.reshape(_B, _SPN))

    return (seq_rep, indices, mask)

# --- scband reference (transcript-rebuilt; emitter-appended) ---
"""Pipeline reference for scband-cell-running-mask-agent-65515431133218 (READ-ONLY COPY).

The authoritative reference and input builder live on the scoring server;
editing this copy changes nothing except your own understanding.
"""

import jax, jax.numpy as jnp
import numpy as np

T = 16            # mask_shape[0] = NUM_INPUT_FRAMES // 2
CELL = 4          # s0*s1*s2 = 1*2*2
SPN = 49          # spatial_small_patch_num = (14//2)*(14//2)
PATCH_TOTAL = 3136
MASK_NUM = 2352

def _build_train_mask():
    mask_per_patch = MASK_NUM // (T * SPN)  # = 3
    mask_list = [1] * mask_per_patch + [0] * (CELL - mask_per_patch)
    tms = []
    for i in range(CELL):
        tm = np.zeros((T, CELL), dtype=np.float32)
        for t in range(T):
            offset = (t + i) % CELL
            tm[t] = np.array(mask_list[-offset:] + mask_list[:-offset], dtype=np.float32)
        tms.append(tm)
    return np.stack(tms, axis=0)

TRAIN_MASK = jnp.asarray(_build_train_mask())  # [4, 16, 4]

def setup_inputs(seed: int = 0):
    key = jax.random.key(seed)
    k1, k2, k3 = jax.random.split(key, 3)
    B = 16
    x = jax.random.normal(k1, (B, 3, 32, 224, 224), dtype=jnp.float32)
    mask_index = jax.random.randint(k2, (B * SPN,), 0, CELL, dtype=jnp.int32)
    seq_logits = jax.random.uniform(k3, (B, PATCH_TOTAL), dtype=jnp.float32)
    return {"x": x, "mask_index": mask_index, "seq_logits": seq_logits, "mask_shape": 16}

def reference(x, mask_index, seq_logits, mask_shape):
    # Training-branch forward of CellRunningMaskAgent; torch's in-forward
    # randint/rand are hoisted to setup_inputs as mask_index/seq_logits.
    B = x.shape[0]
    # gather running-cell masks per (sample, spatial super-patch)
    sel = TRAIN_MASK[mask_index].reshape(B, SPN, T, CELL)
    sel = jnp.transpose(sel, (0, 2, 1, 3))  # [B, T, 49, 4]
    # rearrange 'b t (h w) (s0 s1 s2) -> b (t s0) (h s1) (w s2)', s0=1,s1=2,s2=2
    sel = sel.reshape(B, T, 7, 7, 1, 2, 2)
    sel = jnp.transpose(sel, (0, 1, 4, 2, 5, 3, 6)).reshape(B, T, 14, 14)
    sel = sel.reshape(B, -1)  # [B, 3136]
    values, indices = jax.lax.top_k(seq_logits, MASK_NUM)
    seq_rep = jnp.repeat(seq_logits[:, None, :], MASK_NUM, axis=1)  # [B, 2352, 3136]
    return (jax.lax.stop_gradient(seq_rep), indices, 1.0 - sel)

if __name__ == "__main__":
    import jax
    _d = setup_inputs()
    print(jax.jit(kernel)(*tuple(_d.values())))

</pallas_src>

<mosaic_0001>
#map = affine_map<(d0, d1) -> (0, 0)>
module attributes {stable_mosaic.version = 14 : i64} {
  func.func @_sc_topk_body(%arg0: i32, %arg1: i32, %arg2: memref<16x3136xi32, #tpu.memory_space<hbm>>, %arg3: memref<16x2352xi32, #tpu.memory_space<hbm>>, %arg4: memref<3136xi32, #tpu.memory_space<vmem>>, %arg5: memref<3136xi32, #tpu.memory_space<vmem>>, %arg6: memref<3136xi32, #tpu.memory_space<vmem>>, %arg7: memref<3136xi32, #tpu.memory_space<vmem>>, %arg8: memref<3136xi32, #tpu.memory_space<vmem>>, %arg9: memref<4096xi32, #tpu.memory_space<vmem>>) attributes {dimension_semantics = [#tpu.dimension_semantics<core_parallel>, #tpu.dimension_semantics<subcore_parallel>], iteration_bounds = array<i64: 2, 16>, scalar_prefetch = 0 : i64, scratch_operands = 6 : i64, tpu.core_type = #tpu.core_type<sc_vector_subcore>, window_params = [{transform_indices = #map}, {transform_indices = #map}]} {
    %mul3A = arith.constant 2 : i32
    %mul3A_0 = arith.muli %arg1, %mul3A : i32
    %add3A = arith.addi %mul3A_0, %arg0 : i32
    %iota3A = tpu.iota {dimensions = array<i32: 0>} : vector<16xi32>
    %broadcast_in_dim3A = arith.constant 1 : i32
    %broadcast_in_dim3A_1 = vector.broadcast %broadcast_in_dim3A : i32 to vector<16xi32>
    %lt3A = arith.constant 16 : i32
    %lt3A_2 = arith.cmpi slt, %add3A, %lt3A : i32
    %convert_element_type3A = arith.extui %lt3A_2 : i1 to i32
    %cond3A = arith.constant 0 : i32
    %cond3A_3 = arith.cmpi ne, %convert_element_type3A, %cond3A : i32
    scf.if %cond3A_3 {
      "tpu.region"() ({
        %run_scoped3A = tpu.sem_alloc : memref<!tpu.dma_semaphore, #tpu.memory_space<semaphore_mem>>
        %dma_start3A = arith.constant 0 : i32
        %dma_start3A_109 = tpu.memref_slice %arg2[%add3A, %dma_start3A] : memref<16x3136xi32, #tpu.memory_space<hbm>> -> memref<1x3136xi32, #tpu.memory_space<hbm>>
        %dma_start3A_110 = tpu.memref_squeeze %dma_start3A_109 : memref<1x3136xi32, #tpu.memory_space<hbm>> -> memref<3136xi32, #tpu.memory_space<hbm>>
        %dma_start3A_111 = arith.constant 0 : i32
        %dma_start3A_112 = tpu.memref_slice %arg2[%add3A, %dma_start3A_111] : memref<16x3136xi32, #tpu.memory_space<hbm>> -> memref<1x3136xi32, #tpu.memory_space<hbm>>
        %dma_start3A_113 = tpu.memref_squeeze %dma_start3A_112 : memref<1x3136xi32, #tpu.memory_space<hbm>> -> memref<3136xi32, #tpu.memory_space<hbm>>
        tpu.enqueue_dma source(%dma_start3A_113 : memref<3136xi32, #tpu.memory_space<hbm>>) target(%arg4 : memref<3136xi32, #tpu.memory_space<vmem>>) target_semaphore(%run_scoped3A : memref<!tpu.dma_semaphore, #tpu.memory_space<semaphore_mem>>)
        %dma_wait3A = arith.constant 0 : i32
        %dma_wait3A_114 = tpu.memref_slice %arg2[%add3A, %dma_wait3A] : memref<16x3136xi32, #tpu.memory_space<hbm>> -> memref<1x3136xi32, #tpu.memory_space<hbm>>
        %dma_wait3A_115 = tpu.memref_squeeze %dma_wait3A_114 : memref<1x3136xi32, #tpu.memory_space<hbm>> -> memref<3136xi32, #tpu.memory_space<hbm>>
        %dma_wait3A_116 = arith.constant 0 : i32
        %dma_wait3A_117 = tpu.memref_slice %arg2[%add3A, %dma_wait3A_116] : memref<16x3136xi32, #tpu.memory_space<hbm>> -> memref<1x3136xi32, #tpu.memory_space<hbm>>
        %dma_wait3A_118 = tpu.memref_squeeze %dma_wait3A_117 : memref<1x3136xi32, #tpu.memory_space<hbm>> -> memref<3136xi32, #tpu.memory_space<hbm>>
        tpu.wait_dma2 semaphore(%run_scoped3A : memref<!tpu.dma_semaphore, #tpu.memory_space<semaphore_mem>>) src(%dma_wait3A_118 : memref<3136xi32, #tpu.memory_space<hbm>>) dst(%arg4 : memref<3136xi32, #tpu.memory_space<vmem>>)
        tpu.yield
      }) : () -> ()
      %scan3A = arith.constant 0 : i32
      %scan3A_4 = arith.constant 0 : i32
      %scan3A_5 = arith.constant 196 : i32
      %scan3A_6 = arith.addi %scan3A_4, %scan3A_5 : i32
      %scan3A_7 = arith.constant 1 : i32
      scf.for %scan3A_109 = %scan3A_4 to %scan3A_6 step %scan3A_7  : i32 {
        %mul3A_110 = arith.constant 16 : i32
        %mul3A_111 = arith.muli %scan3A_109, %mul3A_110 : i32
        %get3A = arith.index_cast %mul3A_111 : i32 to index
        %get3A_112 = tpu.vector_load %arg4[%get3A] {strides = array<i32>} : memref<3136xi32, #tpu.memory_space<vmem>>, vector<16xi32>,
        %lt3A_113 = arith.constant 0 : i32
        %lt3A_114 = vector.broadcast %lt3A_113 : i32 to vector<16xi32>
        %lt3A_115 = arith.cmpi slt, %get3A_112, %lt3A_114 : vector<16xi32>
        %xor3A = arith.constant 2147483647 : i32
        %xor3A_116 = vector.broadcast %xor3A : i32 to vector<16xi32>
        %xor3A_117 = arith.xori %get3A_112, %xor3A_116 : vector<16xi32>
        %select_n3A = arith.select %lt3A_115, %xor3A_117, %get3A_112 : vector<16xi1>, vector<16xi32>
        %xor3A_118 = arith.constant -2147483648 : i32
        %xor3A_119 = vector.broadcast %xor3A_118 : i32 to vector<16xi32>
        %xor3A_120 = arith.xori %select_n3A, %xor3A_119 : vector<16xi32>
        %not3A = arith.constant dense<-1> : vector<16xi32>
        %not3A_121 = arith.xori %xor3A_120, %not3A : vector<16xi32>
        %mul3A_122 = arith.constant 16 : i32
        %mul3A_123 = arith.muli %scan3A_109, %mul3A_122 : i32
        %swap3A = arith.index_cast %mul3A_123 : i32 to index
        %swap3A_124 = tpu.vector_load %arg5[%swap3A] {strides = array<i32>} : memref<3136xi32, #tpu.memory_space<vmem>>, vector<16xi32>,
        tpu.vector_store %arg5[%swap3A], %not3A_121 {strides = array<i32>} : memref<3136xi32, #tpu.memory_space<vmem>>, vector<16xi32>,
        %mul3A_125 = arith.constant 16 : i32
        %mul3A_126 = arith.muli %scan3A_109, %mul3A_125 : i32
        %add3A_127 = vector.broadcast %mul3A_126 : i32 to vector<16xi32>
        %add3A_128 = arith.addi %iota3A, %add3A_127 : vector<16xi32>
        %mul3A_129 = arith.constant 16 : i32
        %mul3A_130 = arith.muli %scan3A_109, %mul3A_129 : i32
        %swap3A_131 = arith.index_cast %mul3A_130 : i32 to index
        %swap3A_132 = tpu.vector_load %arg6[%swap3A_131] {strides = array<i32>} : memref<3136xi32, #tpu.memory_space<vmem>>, vector<16xi32>,
        tpu.vector_store %arg6[%swap3A_131], %add3A_128 {strides = array<i32>} : memref<3136xi32, #tpu.memory_space<vmem>>, vector<16xi32>,
      }
      %scan3A_8 = arith.constant 196 : i32
      %scan3A_9 = arith.constant 0 : i32
      %scan3A_10 = arith.constant 0 : i32
      %scan3A_11 = arith.constant 256 : i32
      %scan3A_12 = arith.addi %scan3A_10, %scan3A_11 : i32
      %scan3A_13 = arith.constant 1 : i32
      scf.for %scan3A_109 = %scan3A_10 to %scan3A_12 step %scan3A_13  : i32 {
        %broadcast_in_dim3A_110 = arith.constant 0 : i32
        %broadcast_in_dim3A_111 = vector.broadcast %broadcast_in_dim3A_110 : i32 to vector<16xi32>
        %mul3A_112 = arith.constant 16 : i32
        %mul3A_113 = arith.muli %scan3A_109, %mul3A_112 : i32
        %swap3A = arith.index_cast %mul3A_113 : i32 to index
        %swap3A_114 = tpu.vector_load %arg9[%swap3A] {strides = array<i32>} : memref<4096xi32, #tpu.memory_space<vmem>>, vector<16xi32>,
        tpu.vector_store %arg9[%swap3A], %broadcast_in_dim3A_111 {strides = array<i32>} : memref<4096xi32, #tpu.memory_space<vmem>>, vector<16xi32>,
      }
      %scan3A_14 = arith.constant 256 : i32
      %scan3A_15 = arith.constant 0 : i32
      %scan3A_16 = arith.constant 0 : i32
      %scan3A_17 = arith.constant 196 : i32
      %scan3A_18 = arith.addi %scan3A_16, %scan3A_17 : i32
      %scan3A_19 = arith.constant 1 : i32
      scf.for %scan3A_109 = %scan3A_16 to %scan3A_18 step %scan3A_19  : i32 {
        %mul3A_110 = arith.constant 196 : i32
        %mul3A_111 = vector.broadcast %mul3A_110 : i32 to vector<16xi32>
        %mul3A_112 = arith.muli %iota3A, %mul3A_111 : vector<16xi32>
        %add3A_113 = vector.broadcast %scan3A_109 : i32 to vector<16xi32>
        %add3A_114 = arith.addi %mul3A_112, %add3A_113 : vector<16xi32>
        %gather3A = tpu.vector_load_idx %arg5[%add3A_114] : memref<3136xi32, #tpu.memory_space<vmem>>[vector<16xi32>], vector<16xi32>,
        %shift_right_logical3A = arith.constant 0 : i32
        %shift_right_logical3A_115 = vector.broadcast %shift_right_logical3A : i32 to vector<16xi32>
        %shift_right_logical3A_116 = arith.shrui %gather3A, %shift_right_logical3A_115 : vector<16xi32>
        %and3A = arith.constant 255 : i32
        %and3A_117 = vector.broadcast %and3A : i32 to vector<16xi32>
        %and3A_118 = arith.andi %shift_right_logical3A_116, %and3A_117 : vector<16xi32>
        %mul3A_119 = arith.constant 16 : i32
        %mul3A_120 = vector.broadcast %mul3A_119 : i32 to vector<16xi32>
        %mul3A_121 = arith.muli %and3A_118, %mul3A_120 : vector<16xi32>
        %add3A_122 = arith.addi %mul3A_121, %iota3A : vector<16xi32>
        tpu.vector_store_idx %arg9[%add3A_122], %broadcast_in_dim3A_1 {add = true} : memref<4096xi32, #tpu.memory_space<vmem>>[vector<16xi32>], vector<16xi32>,
      }
      %scan3A_20 = arith.constant 196 : i32
      %scan3A_21 = arith.constant 0 : i32
      %scan3A_22 = arith.constant 0 : i32
      %scan3A_23 = arith.constant 256 : i32
      %scan3A_24 = arith.addi %scan3A_22, %scan3A_23 : i32
      %scan3A_25 = arith.constant 1 : i32
      %scan3A_26 = scf.for %scan3A_109 = %scan3A_22 to %scan3A_24 step %scan3A_25 iter_args(%scan3A_110 = %scan3A_21) -> (i32)  : i32 {
        %mul3A_111 = arith.constant 16 : i32
        %mul3A_112 = arith.muli %scan3A_109, %mul3A_111 : i32
        %get3A = arith.index_cast %mul3A_112 : i32 to index
        %get3A_113 = tpu.vector_load %arg9[%get3A] {strides = array<i32>} : memref<4096xi32, #tpu.memory_space<vmem>>, vector<16xi32>,
        %broadcast_in_dim3A_114 = arith.constant true
        %broadcast_in_dim3A_115 = vector.broadcast %broadcast_in_dim3A_114 : i1 to vector<16xi1>
        %masked_cumsum3A = tpu.scan <sum>, %get3A_113 masked %broadcast_in_dim3A_115 : vector<16xi32>, vector<16xi1> -> vector<16xi32>
        %sub3A = arith.subi %masked_cumsum3A, %get3A_113 : vector<16xi32>
        %add3A_116 = vector.broadcast %scan3A_110 : i32 to vector<16xi32>
        %add3A_117 = arith.addi %sub3A, %add3A_116 : vector<16xi32>
        %mul3A_118 = arith.constant 16 : i32
        %mul3A_119 = arith.muli %scan3A_109, %mul3A_118 : i32
        %swap3A = arith.index_cast %mul3A_119 : i32 to index
        %swap3A_120 = tpu.vector_load %arg9[%swap3A] {strides = array<i32>} : memref<4096xi32, #tpu.memory_space<vmem>>, vector<16xi32>,
        tpu.vector_store %arg9[%swap3A], %add3A_117 {strides = array<i32>} : memref<4096xi32, #tpu.memory_space<vmem>>, vector<16xi32>,
        %reduce_sum3A = arith.constant true
        %reduce_sum3A_121 = vector.broadcast %reduce_sum3A : i1 to vector<16xi1>
        %reduce_sum3A_122 = tpu.scan <sum>, %get3A_113 masked %reduce_sum3A_121 : vector<16xi32>, vector<16xi1> -> vector<16xi32>
        %reduce_sum3A_123 = vector.extract %reduce_sum3A_122[15] : i32 from vector<16xi32>
        %add3A_124 = arith.addi %scan3A_110, %reduce_sum3A_123 : i32
        scf.yield %add3A_124 : i32
      }
      %scan3A_27 = arith.constant 256 : i32
      %scan3A_28 = arith.constant 0 : i32
      %scan3A_29 = arith.constant 0 : i32
      %scan3A_30 = arith.constant 196 : i32
      %scan3A_31 = arith.addi %scan3A_29, %scan3A_30 : i32
      %scan3A_32 = arith.constant 1 : i32
      scf.for %scan3A_109 = %scan3A_29 to %scan3A_31 step %scan3A_32  : i32 {
        %mul3A_110 = arith.constant 196 : i32
        %mul3A_111 = vector.broadcast %mul3A_110 : i32 to vector<16xi32>
        %mul3A_112 = arith.muli %iota3A, %mul3A_111 : vector<16xi32>
        %add3A_113 = vector.broadcast %scan3A_109 : i32 to vector<16xi32>
        %add3A_114 = arith.addi %mul3A_112, %add3A_113 : vector<16xi32>
        %gather3A = tpu.vector_load_idx %arg5[%add3A_114] : memref<3136xi32, #tpu.memory_space<vmem>>[vector<16xi32>], vector<16xi32>,
        %gather3A_115 = tpu.vector_load_idx %arg6[%add3A_114] : memref<3136xi32, #tpu.memory_space<vmem>>[vector<16xi32>], vector<16xi32>,
        %shift_right_logical3A = arith.constant 0 : i32
        %shift_right_logical3A_116 = vector.broadcast %shift_right_logical3A : i32 to vector<16xi32>
        %shift_right_logical3A_117 = arith.shrui %gather3A, %shift_right_logical3A_116 : vector<16xi32>
        %and3A = arith.constant 255 : i32
        %and3A_118 = vector.broadcast %and3A : i32 to vector<16xi32>
        %and3A_119 = arith.andi %shift_right_logical3A_117, %and3A_118 : vector<16xi32>
        %mul3A_120 = arith.constant 16 : i32
        %mul3A_121 = vector.broadcast %mul3A_120 : i32 to vector<16xi32>
        %mul3A_122 = arith.muli %and3A_119, %mul3A_121 : vector<16xi32>
        %add3A_123 = arith.addi %mul3A_122, %iota3A : vector<16xi32>
        %gather3A_124 = tpu.vector_load_idx %arg9[%add3A_123] : memref<4096xi32, #tpu.memory_space<vmem>>[vector<16xi32>], vector<16xi32>,
        tpu.vector_store_idx %arg7[%gather3A_124], %gather3A : memref<3136xi32, #tpu.memory_space<vmem>>[vector<16xi32>], vector<16xi32>,
        tpu.vector_store_idx %arg8[%gather3A_124], %gather3A_115 : memref<3136xi32, #tpu.memory_space<vmem>>[vector<16xi32>], vector<16xi32>,
        %mul3A_125 = arith.constant 16 : i32
        %mul3A_126 = vector.broadcast %mul3A_125 : i32 to vector<16xi32>
        %mul3A_127 = arith.muli %and3A_119, %mul3A_126 : vector<16xi32>
        %add3A_128 = arith.addi %mul3A_127, %iota3A : vector<16xi32>
        tpu.vector_store_idx %arg9[%add3A_128], %broadcast_in_dim3A_1 {add = true} : memref<4096xi32, #tpu.memory_space<vmem>>[vector<16xi32>], vector<16xi32>,
      }
      %scan3A_33 = arith.constant 196 : i32
      %scan3A_34 = arith.constant 0 : i32
      %scan3A_35 = arith.constant 0 : i32
      %scan3A_36 = arith.constant 256 : i32
      %scan3A_37 = arith.addi %scan3A_35, %scan3A_36 : i32
      %scan3A_38 = arith.constant 1 : i32
      scf.for %scan3A_109 = %scan3A_35 to %scan3A_37 step %scan3A_38  : i32 {
        %broadcast_in_dim3A_110 = arith.constant 0 : i32
        %broadcast_in_dim3A_111 = vector.broadcast %broadcast_in_dim3A_110 : i32 to vector<16xi32>
        %mul3A_112 = arith.constant 16 : i32
        %mul3A_113 = arith.muli %scan3A_109, %mul3A_112 : i32
        %swap3A = arith.index_cast %mul3A_113 : i32 to index
        %swap3A_114 = tpu.vector_load %arg9[%swap3A] {strides = array<i32>} : memref<4096xi32, #tpu.memory_space<vmem>>, vector<16xi32>,
        tpu.vector_store %arg9[%swap3A], %broadcast_in_dim3A_111 {strides = array<i32>} : memref<4096xi32, #tpu.memory_space<vmem>>, vector<16xi32>,
      }
      %scan3A_39 = arith.constant 256 : i32
      %scan3A_40 = arith.constant 0 : i32
      %scan3A_41 = arith.constant 0 : i32
      %scan3A_42 = arith.constant 196 : i32
      %scan3A_43 = arith.addi %scan3A_41, %scan3A_42 : i32
      %scan3A_44 = arith.constant 1 : i32
      scf.for %scan3A_109 = %scan3A_41 to %scan3A_43 step %scan3A_44  : i32 {
        %mul3A_110 = arith.constant 196 : i32
        %mul3A_111 = vector.broadcast %mul3A_110 : i32 to vector<16xi32>
        %mul3A_112 = arith.muli %iota3A, %mul3A_111 : vector<16xi32>
        %add3A_113 = vector.broadcast %scan3A_109 : i32 to vector<16xi32>
        %add3A_114 = arith.addi %mul3A_112, %add3A_113 : vector<16xi32>
        %gather3A = tpu.vector_load_idx %arg7[%add3A_114] : memref<3136xi32, #tpu.memory_space<vmem>>[vector<16xi32>], vector<16xi32>,
        %shift_right_logical3A = arith.constant 8 : i32
        %shift_right_logical3A_115 = vector.broadcast %shift_right_logical3A : i32 to vector<16xi32>
        %shift_right_logical3A_116 = arith.shrui %gather3A, %shift_right_logical3A_115 : vector<16xi32>
        %and3A = arith.constant 255 : i32
        %and3A_117 = vector.broadcast %and3A : i32 to vector<16xi32>
        %and3A_118 = arith.andi %shift_right_logical3A_116, %and3A_117 : vector<16xi32>
        %mul3A_119 = arith.constant 16 : i32
        %mul3A_120 = vector.broadcast %mul3A_119 : i32 to vector<16xi32>
        %mul3A_121 = arith.muli %and3A_118, %mul3A_120 : vector<16xi32>
        %add3A_122 = arith.addi %mul3A_121, %iota3A : vector<16xi32>
        tpu.vector_store_idx %arg9[%add3A_122], %broadcast_in_dim3A_1 {add = true} : memref<4096xi32, #tpu.memory_space<vmem>>[vector<16xi32>], vector<16xi32>,
      }
      %scan3A_45 = arith.constant 196 : i32
      %scan3A_46 = arith.constant 0 : i32
      %scan3A_47 = arith.constant 0 : i32
      %scan3A_48 = arith.constant 256 : i32
      %scan3A_49 = arith.addi %scan3A_47, %scan3A_48 : i32
      %scan3A_50 = arith.constant 1 : i32
      %scan3A_51 = scf.for %scan3A_109 = %scan3A_47 to %scan3A_49 step %scan3A_50 iter_args(%scan3A_110 = %scan3A_46) -> (i32)  : i32 {
        %mul3A_111 = arith.constant 16 : i32
        %mul3A_112 = arith.muli %scan3A_109, %mul3A_111 : i32
        %get3A = arith.index_cast %mul3A_112 : i32 to index
        %get3A_113 = tpu.vector_load %arg9[%get3A] {strides = array<i32>} : memref<4096xi32, #tpu.memory_space<vmem>>, vector<16xi32>,
        %broadcast_in_dim3A_114 = arith.constant true
        %broadcast_in_dim3A_115 = vector.broadcast %broadcast_in_dim3A_114 : i1 to vector<16xi1>
        %masked_cumsum3A = tpu.scan <sum>, %get3A_113 masked %broadcast_in_dim3A_115 : vector<16xi32>, vector<16xi1> -> vector<16xi32>
        %sub3A = arith.subi %masked_cumsum3A, %get3A_113 : vector<16xi32>
        %add3A_116 = vector.broadcast %scan3A_110 : i32 to vector<16xi32>
        %add3A_117 = arith.addi %sub3A, %add3A_116 : vector<16xi32>
        %mul3A_118 = arith.constant 16 : i32
        %mul3A_119 = arith.muli %scan3A_109, %mul3A_118 : i32
        %swap3A = arith.index_cast %mul3A_119 : i32 to index
        %swap3A_120 = tpu.vector_load %arg9[%swap3A] {strides = array<i32>} : memref<4096xi32, #tpu.memory_space<vmem>>, vector<16xi32>,
        tpu.vector_store %arg9[%swap3A], %add3A_117 {strides = array<i32>} : memref<4096xi32, #tpu.memory_space<vmem>>, vector<16xi32>,
        %reduce_sum3A = arith.constant true
        %reduce_sum3A_121 = vector.broadcast %reduce_sum3A : i1 to vector<16xi1>
        %reduce_sum3A_122 = tpu.scan <sum>, %get3A_113 masked %reduce_sum3A_121 : vector<16xi32>, vector<16xi1> -> vector<16xi32>
        %reduce_sum3A_123 = vector.extract %reduce_sum3A_122[15] : i32 from vector<16xi32>
        %add3A_124 = arith.addi %scan3A_110, %reduce_sum3A_123 : i32
        scf.yield %add3A_124 : i32
      }
      %scan3A_52 = arith.constant 256 : i32
      %scan3A_53 = arith.constant 0 : i32
      %scan3A_54 = arith.constant 0 : i32
      %scan3A_55 = arith.constant 196 : i32
      %scan3A_56 = arith.addi %scan3A_54, %scan3A_55 : i32
      %scan3A_57 = arith.constant 1 : i32
      scf.for %scan3A_109 = %scan3A_54 to %scan3A_56 step %scan3A_57  : i32 {
        %mul3A_110 = arith.constant 196 : i32
        %mul3A_111 = vector.broadcast %mul3A_110 : i32 to vector<16xi32>
        %mul3A_112 = arith.muli %iota3A, %mul3A_111 : vector<16xi32>
        %add3A_113 = vector.broadcast %scan3A_109 : i32 to vector<16xi32>
        %add3A_114 = arith.addi %mul3A_112, %add3A_113 : vector<16xi32>
        %gather3A = tpu.vector_load_idx %arg7[%add3A_114] : memref<3136xi32, #tpu.memory_space<vmem>>[vector<16xi32>], vector<16xi32>,
        %gather3A_115 = tpu.vector_load_idx %arg8[%add3A_114] : memref<3136xi32, #tpu.memory_space<vmem>>[vector<16xi32>], vector<16xi32>,
        %shift_right_logical3A = arith.constant 8 : i32
        %shift_right_logical3A_116 = vector.broadcast %shift_right_logical3A : i32 to vector<16xi32>
        %shift_right_logical3A_117 = arith.shrui %gather3A, %shift_right_logical3A_116 : vector<16xi32>
        %and3A = arith.constant 255 : i32
        %and3A_118 = vector.broadcast %and3A : i32 to vector<16xi32>
        %and3A_119 = arith.andi %shift_right_logical3A_117, %and3A_118 : vector<16xi32>
        %mul3A_120 = arith.constant 16 : i32
        %mul3A_121 = vector.broadcast %mul3A_120 : i32 to vector<16xi32>
        %mul3A_122 = arith.muli %and3A_119, %mul3A_121 : vector<16xi32>
        %add3A_123 = arith.addi %mul3A_122, %iota3A : vector<16xi32>
        %gather3A_124 = tpu.vector_load_idx %arg9[%add3A_123] : memref<4096xi32, #tpu.memory_space<vmem>>[vector<16xi32>], vector<16xi32>,
        tpu.vector_store_idx %arg5[%gather3A_124], %gather3A : memref<3136xi32, #tpu.memory_space<vmem>>[vector<16xi32>], vector<16xi32>,
        tpu.vector_store_idx %arg6[%gather3A_124], %gather3A_115 : memref<3136xi32, #tpu.memory_space<vmem>>[vector<16xi32>], vector<16xi32>,
        %mul3A_125 = arith.constant 16 : i32
        %mul3A_126 = vector.broadcast %mul3A_125 : i32 to vector<16xi32>
        %mul3A_127 = arith.muli %and3A_119, %mul3A_126 : vector<16xi32>
        %add3A_128 = arith.addi %mul3A_127, %iota3A : vector<16xi32>
        tpu.vector_store_idx %arg9[%add3A_128], %broadcast_in_dim3A_1 {add = true} : memref<4096xi32, #tpu.memory_space<vmem>>[vector<16xi32>], vector<16xi32>,
      }
      %scan3A_58 = arith.constant 196 : i32
      %scan3A_59 = arith.constant 0 : i32
      %scan3A_60 = arith.constant 0 : i32
      %scan3A_61 = arith.constant 256 : i32
      %scan3A_62 = arith.addi %scan3A_60, %scan3A_61 : i32
      %scan3A_63 = arith.constant 1 : i32
      scf.for %scan3A_109 = %scan3A_60 to %scan3A_62 step %scan3A_63  : i32 {
        %broadcast_in_dim3A_110 = arith.constant 0 : i32
        %broadcast_in_dim3A_111 = vector.broadcast %broadcast_in_dim3A_110 : i32 to vector<16xi32>
        %mul3A_112 = arith.constant 16 : i32
        %mul3A_113 = arith.muli %scan3A_109, %mul3A_112 : i32
        %swap3A = arith.index_cast %mul3A_113 : i32 to index
        %swap3A_114 = tpu.vector_load %arg9[%swap3A] {strides = array<i32>} : memref<4096xi32, #tpu.memory_space<vmem>>, vector<16xi32>,
        tpu.vector_store %arg9[%swap3A], %broadcast_in_dim3A_111 {strides = array<i32>} : memref<4096xi32, #tpu.memory_space<vmem>>, vector<16xi32>,
      }
      %scan3A_64 = arith.constant 256 : i32
      %scan3A_65 = arith.constant 0 : i32
      %scan3A_66 = arith.constant 0 : i32
      %scan3A_67 = arith.constant 196 : i32
      %scan3A_68 = arith.addi %scan3A_66, %scan3A_67 : i32
      %scan3A_69 = arith.constant 1 : i32
      scf.for %scan3A_109 = %scan3A_66 to %scan3A_68 step %scan3A_69  : i32 {
        %mul3A_110 = arith.constant 196 : i32
        %mul3A_111 = vector.broadcast %mul3A_110 : i32 to vector<16xi32>
        %mul3A_112 = arith.muli %iota3A, %mul3A_111 : vector<16xi32>
        %add3A_113 = vector.broadcast %scan3A_109 : i32 to vector<16xi32>
        %add3A_114 = arith.addi %mul3A_112, %add3A_113 : vector<16xi32>
        %gather3A = tpu.vector_load_idx %arg5[%add3A_114] : memref<3136xi32, #tpu.memory_space<vmem>>[vector<16xi32>], vector<16xi32>,
        %shift_right_logical3A = arith.constant 16 : i32
        %shift_right_logical3A_115 = vector.broadcast %shift_right_logical3A : i32 to vector<16xi32>
        %shift_right_logical3A_116 = arith.shrui %gather3A, %shift_right_logical3A_115 : vector<16xi32>
        %and3A = arith.constant 255 : i32
        %and3A_117 = vector.broadcast %and3A : i32 to vector<16xi32>
        %and3A_118 = arith.andi %shift_right_logical3A_116, %and3A_117 : vector<16xi32>
        %mul3A_119 = arith.constant 16 : i32
        %mul3A_120 = vector.broadcast %mul3A_119 : i32 to vector<16xi32>
        %mul3A_121 = arith.muli %and3A_118, %mul3A_120 : vector<16xi32>
        %add3A_122 = arith.addi %mul3A_121, %iota3A : vector<16xi32>
        tpu.vector_store_idx %arg9[%add3A_122], %broadcast_in_dim3A_1 {add = true} : memref<4096xi32, #tpu.memory_space<vmem>>[vector<16xi32>], vector<16xi32>,
      }
      %scan3A_70 = arith.constant 196 : i32
      %scan3A_71 = arith.constant 0 : i32
      %scan3A_72 = arith.constant 0 : i32
      %scan3A_73 = arith.constant 256 : i32
      %scan3A_74 = arith.addi %scan3A_72, %scan3A_73 : i32
      %scan3A_75 = arith.constant 1 : i32
      %scan3A_76 = scf.for %scan3A_109 = %scan3A_72 to %scan3A_74 step %scan3A_75 iter_args(%scan3A_110 = %scan3A_71) -> (i32)  : i32 {
        %mul3A_111 = arith.constant 16 : i32
        %mul3A_112 = arith.muli %scan3A_109, %mul3A_111 : i32
        %get3A = arith.index_cast %mul3A_112 : i32 to index
        %get3A_113 = tpu.vector_load %arg9[%get3A] {strides = array<i32>} : memref<4096xi32, #tpu.memory_space<vmem>>, vector<16xi32>,
        %broadcast_in_dim3A_114 = arith.constant true
        %broadcast_in_dim3A_115 = vector.broadcast %broadcast_in_dim3A_114 : i1 to vector<16xi1>
        %masked_cumsum3A = tpu.scan <sum>, %get3A_113 masked %broadcast_in_dim3A_115 : vector<16xi32>, vector<16xi1> -> vector<16xi32>
        %sub3A = arith.subi %masked_cumsum3A, %get3A_113 : vector<16xi32>
        %add3A_116 = vector.broadcast %scan3A_110 : i32 to vector<16xi32>
        %add3A_117 = arith.addi %sub3A, %add3A_116 : vector<16xi32>
        %mul3A_118 = arith.constant 16 : i32
        %mul3A_119 = arith.muli %scan3A_109, %mul3A_118 : i32
        %swap3A = arith.index_cast %mul3A_119 : i32 to index
        %swap3A_120 = tpu.vector_load %arg9[%swap3A] {strides = array<i32>} : memref<4096xi32, #tpu.memory_space<vmem>>, vector<16xi32>,
        tpu.vector_store %arg9[%swap3A], %add3A_117 {strides = array<i32>} : memref<4096xi32, #tpu.memory_space<vmem>>, vector<16xi32>,
        %reduce_sum3A = arith.constant true
        %reduce_sum3A_121 = vector.broadcast %reduce_sum3A : i1 to vector<16xi1>
        %reduce_sum3A_122 = tpu.scan <sum>, %get3A_113 masked %reduce_sum3A_121 : vector<16xi32>, vector<16xi1> -> vector<16xi32>
        %reduce_sum3A_123 = vector.extract %reduce_sum3A_122[15] : i32 from vector<16xi32>
        %add3A_124 = arith.addi %scan3A_110, %reduce_sum3A_123 : i32
        scf.yield %add3A_124 : i32
      }
      %scan3A_77 = arith.constant 256 : i32
      %scan3A_78 = arith.constant 0 : i32
      %scan3A_79 = arith.constant 0 : i32
      %scan3A_80 = arith.constant 196 : i32
      %scan3A_81 = arith.addi %scan3A_79, %scan3A_80 : i32
      %scan3A_82 = arith.constant 1 : i32
      scf.for %scan3A_109 = %scan3A_79 to %scan3A_81 step %scan3A_82  : i32 {
        %mul3A_110 = arith.constant 196 : i32
        %mul3A_111 = vector.broadcast %mul3A_110 : i32 to vector<16xi32>
        %mul3A_112 = arith.muli %iota3A, %mul3A_111 : vector<16xi32>
        %add3A_113 = vector.broadcast %scan3A_109 : i32 to vector<16xi32>
        %add3A_114 = arith.addi %mul3A_112, %add3A_113 : vector<16xi32>
        %gather3A = tpu.vector_load_idx %arg5[%add3A_114] : memref<3136xi32, #tpu.memory_space<vmem>>[vector<16xi32>], vector<16xi32>,
        %gather3A_115 = tpu.vector_load_idx %arg6[%add3A_114] : memref<3136xi32, #tpu.memory_space<vmem>>[vector<16xi32>], vector<16xi32>,
        %shift_right_logical3A = arith.constant 16 : i32
        %shift_right_logical3A_116 = vector.broadcast %shift_right_logical3A : i32 to vector<16xi32>
        %shift_right_logical3A_117 = arith.shrui %gather3A, %shift_right_logical3A_116 : vector<16xi32>
        %and3A = arith.constant 255 : i32
        %and3A_118 = vector.broadcast %and3A : i32 to vector<16xi32>
        %and3A_119 = arith.andi %shift_right_logical3A_117, %and3A_118 : vector<16xi32>
        %mul3A_120 = arith.constant 16 : i32
        %mul3A_121 = vector.broadcast %mul3A_120 : i32 to vector<16xi32>
        %mul3A_122 = arith.muli %and3A_119, %mul3A_121 : vector<16xi32>
        %add3A_123 = arith.addi %mul3A_122, %iota3A : vector<16xi32>
        %gather3A_124 = tpu.vector_load_idx %arg9[%add3A_123] : memref<4096xi32, #tpu.memory_space<vmem>>[vector<16xi32>], vector<16xi32>,
        tpu.vector_store_idx %arg7[%gather3A_124], %gather3A : memref<3136xi32, #tpu.memory_space<vmem>>[vector<16xi32>], vector<16xi32>,
        tpu.vector_store_idx %arg8[%gather3A_124], %gather3A_115 : memref<3136xi32, #tpu.memory_space<vmem>>[vector<16xi32>], vector<16xi32>,
        %mul3A_125 = arith.constant 16 : i32
        %mul3A_126 = vector.broadcast %mul3A_125 : i32 to vector<16xi32>
        %mul3A_127 = arith.muli %and3A_119, %mul3A_126 : vector<16xi32>
        %add3A_128 = arith.addi %mul3A_127, %iota3A : vector<16xi32>
        tpu.vector_store_idx %arg9[%add3A_128], %broadcast_in_dim3A_1 {add = true} : memref<4096xi32, #tpu.memory_space<vmem>>[vector<16xi32>], vector<16xi32>,
      }
      %scan3A_83 = arith.constant 196 : i32
      %scan3A_84 = arith.constant 0 : i32
      %scan3A_85 = arith.constant 0 : i32
      %scan3A_86 = arith.constant 256 : i32
      %scan3A_87 = arith.addi %scan3A_85, %scan3A_86 : i32
      %scan3A_88 = arith.constant 1 : i32
      scf.for %scan3A_109 = %scan3A_85 to %scan3A_87 step %scan3A_88  : i32 {
        %broadcast_in_dim3A_110 = arith.constant 0 : i32
        %broadcast_in_dim3A_111 = vector.broadcast %broadcast_in_dim3A_110 : i32 to vector<16xi32>
        %mul3A_112 = arith.constant 16 : i32
        %mul3A_113 = arith.muli %scan3A_109, %mul3A_112 : i32
        %swap3A = arith.index_cast %mul3A_113 : i32 to index
        %swap3A_114 = tpu.vector_load %arg9[%swap3A] {strides = array<i32>} : memref<4096xi32, #tpu.memory_space<vmem>>, vector<16xi32>,
        tpu.vector_store %arg9[%swap3A], %broadcast_in_dim3A_111 {strides = array<i32>} : memref<4096xi32, #tpu.memory_space<vmem>>, vector<16xi32>,
      }
      %scan3A_89 = arith.constant 256 : i32
      %scan3A_90 = arith.constant 0 : i32
      %scan3A_91 = arith.constant 0 : i32
      %scan3A_92 = arith.constant 196 : i32
      %scan3A_93 = arith.addi %scan3A_91, %scan3A_92 : i32
      %scan3A_94 = arith.constant 1 : i32
      scf.for %scan3A_109 = %scan3A_91 to %scan3A_93 step %scan3A_94  : i32 {
        %mul3A_110 = arith.constant 196 : i32
        %mul3A_111 = vector.broadcast %mul3A_110 : i32 to vector<16xi32>
        %mul3A_112 = arith.muli %iota3A, %mul3A_111 : vector<16xi32>
        %add3A_113 = vector.broadcast %scan3A_109 : i32 to vector<16xi32>
        %add3A_114 = arith.addi %mul3A_112, %add3A_113 : vector<16xi32>
        %gather3A = tpu.vector_load_idx %arg7[%add3A_114] : memref<3136xi32, #tpu.memory_space<vmem>>[vector<16xi32>], vector<16xi32>,
        %shift_right_logical3A = arith.constant 24 : i32
        %shift_right_logical3A_115 = vector.broadcast %shift_right_logical3A : i32 to vector<16xi32>
        %shift_right_logical3A_116 = arith.shrui %gather3A, %shift_right_logical3A_115 : vector<16xi32>
        %and3A = arith.constant 255 : i32
        %and3A_117 = vector.broadcast %and3A : i32 to vector<16xi32>
        %and3A_118 = arith.andi %shift_right_logical3A_116, %and3A_117 : vector<16xi32>
        %mul3A_119 = arith.constant 16 : i32
        %mul3A_120 = vector.broadcast %mul3A_119 : i32 to vector<16xi32>
        %mul3A_121 = arith.muli %and3A_118, %mul3A_120 : vector<16xi32>
        %add3A_122 = arith.addi %mul3A_121, %iota3A : vector<16xi32>
        tpu.vector_store_idx %arg9[%add3A_122], %broadcast_in_dim3A_1 {add = true} : memref<4096xi32, #tpu.memory_space<vmem>>[vector<16xi32>], vector<16xi32>,
      }
      %scan3A_95 = arith.constant 196 : i32
      %scan3A_96 = arith.constant 0 : i32
      %scan3A_97 = arith.constant 0 : i32
      %scan3A_98 = arith.constant 256 : i32
      %scan3A_99 = arith.addi %scan3A_97, %scan3A_98 : i32
      %scan3A_100 = arith.constant 1 : i32
      %scan3A_101 = scf.for %scan3A_109 = %scan3A_97 to %scan3A_99 step %scan3A_100 iter_args(%scan3A_110 = %scan3A_96) -> (i32)  : i32 {
        %mul3A_111 = arith.constant 16 : i32
        %mul3A_112 = arith.muli %scan3A_109, %mul3A_111 : i32
        %get3A = arith.index_cast %mul3A_112 : i32 to index
        %get3A_113 = tpu.vector_load %arg9[%get3A] {strides = array<i32>} : memref<4096xi32, #tpu.memory_space<vmem>>, vector<16xi32>,
        %broadcast_in_dim3A_114 = arith.constant true
        %broadcast_in_dim3A_115 = vector.broadcast %broadcast_in_dim3A_114 : i1 to vector<16xi1>
        %masked_cumsum3A = tpu.scan <sum>, %get3A_113 masked %broadcast_in_dim3A_115 : vector<16xi32>, vector<16xi1> -> vector<16xi32>
        %sub3A = arith.subi %masked_cumsum3A, %get3A_113 : vector<16xi32>
        %add3A_116 = vector.broadcast %scan3A_110 : i32 to vector<16xi32>
        %add3A_117 = arith.addi %sub3A, %add3A_116 : vector<16xi32>
        %mul3A_118 = arith.constant 16 : i32
        %mul3A_119 = arith.muli %scan3A_109, %mul3A_118 : i32
        %swap3A = arith.index_cast %mul3A_119 : i32 to index
        %swap3A_120 = tpu.vector_load %arg9[%swap3A] {strides = array<i32>} : memref<4096xi32, #tpu.memory_space<vmem>>, vector<16xi32>,
        tpu.vector_store %arg9[%swap3A], %add3A_117 {strides = array<i32>} : memref<4096xi32, #tpu.memory_space<vmem>>, vector<16xi32>,
        %reduce_sum3A = arith.constant true
        %reduce_sum3A_121 = vector.broadcast %reduce_sum3A : i1 to vector<16xi1>
        %reduce_sum3A_122 = tpu.scan <sum>, %get3A_113 masked %reduce_sum3A_121 : vector<16xi32>, vector<16xi1> -> vector<16xi32>
        %reduce_sum3A_123 = vector.extract %reduce_sum3A_122[15] : i32 from vector<16xi32>
        %add3A_124 = arith.addi %scan3A_110, %reduce_sum3A_123 : i32
        scf.yield %add3A_124 : i32
      }
      %scan3A_102 = arith.constant 256 : i32
      %scan3A_103 = arith.constant 0 : i32
      %scan3A_104 = arith.constant 0 : i32
      %scan3A_105 = arith.constant 196 : i32
      %scan3A_106 = arith.addi %scan3A_104, %scan3A_105 : i32
      %scan3A_107 = arith.constant 1 : i32
      scf.for %scan3A_109 = %scan3A_104 to %scan3A_106 step %scan3A_107  : i32 {
        %mul3A_110 = arith.constant 196 : i32
        %mul3A_111 = vector.broadcast %mul3A_110 : i32 to vector<16xi32>
        %mul3A_112 = arith.muli %iota3A, %mul3A_111 : vector<16xi32>
        %add3A_113 = vector.broadcast %scan3A_109 : i32 to vector<16xi32>
        %add3A_114 = arith.addi %mul3A_112, %add3A_113 : vector<16xi32>
        %gather3A = tpu.vector_load_idx %arg7[%add3A_114] : memref<3136xi32, #tpu.memory_space<vmem>>[vector<16xi32>], vector<16xi32>,
        %gather3A_115 = tpu.vector_load_idx %arg8[%add3A_114] : memref<3136xi32, #tpu.memory_space<vmem>>[vector<16xi32>], vector<16xi32>,
        %shift_right_logical3A = arith.constant 24 : i32
        %shift_right_logical3A_116 = vector.broadcast %shift_right_logical3A : i32 to vector<16xi32>
        %shift_right_logical3A_117 = arith.shrui %gather3A, %shift_right_logical3A_116 : vector<16xi32>
        %and3A = arith.constant 255 : i32
        %and3A_118 = vector.broadcast %and3A : i32 to vector<16xi32>
        %and3A_119 = arith.andi %shift_right_logical3A_117, %and3A_118 : vector<16xi32>
        %mul3A_120 = arith.constant 16 : i32
        %mul3A_121 = vector.broadcast %mul3A_120 : i32 to vector<16xi32>
        %mul3A_122 = arith.muli %and3A_119, %mul3A_121 : vector<16xi32>
        %add3A_123 = arith.addi %mul3A_122, %iota3A : vector<16xi32>
        %gather3A_124 = tpu.vector_load_idx %arg9[%add3A_123] : memref<4096xi32, #tpu.memory_space<vmem>>[vector<16xi32>], vector<16xi32>,
        tpu.vector_store_idx %arg5[%gather3A_124], %gather3A : memref<3136xi32, #tpu.memory_space<vmem>>[vector<16xi32>], vector<16xi32>,
        tpu.vector_store_idx %arg6[%gather3A_124], %gather3A_115 : memref<3136xi32, #tpu.memory_space<vmem>>[vector<16xi32>], vector<16xi32>,
        %mul3A_125 = arith.constant 16 : i32
        %mul3A_126 = vector.broadcast %mul3A_125 : i32 to vector<16xi32>
        %mul3A_127 = arith.muli %and3A_119, %mul3A_126 : vector<16xi32>
        %add3A_128 = arith.addi %mul3A_127, %iota3A : vector<16xi32>
        tpu.vector_store_idx %arg9[%add3A_128], %broadcast_in_dim3A_1 {add = true} : memref<4096xi32, #tpu.memory_space<vmem>>[vector<16xi32>], vector<16xi32>,
      }
      %scan3A_108 = arith.constant 196 : i32
      "tpu.region"() ({
        %run_scoped3A = tpu.sem_alloc : memref<!tpu.dma_semaphore, #tpu.memory_space<semaphore_mem>>
        %dma_start3A = arith.constant 0 : i32
        %dma_start3A_109 = tpu.memref_slice %arg6[%dma_start3A] : memref<3136xi32, #tpu.memory_space<vmem>> -> memref<2352xi32, #tpu.memory_space<vmem>>
        %dma_start3A_110 = arith.constant 0 : i32
        %dma_start3A_111 = tpu.memref_slice %arg3[%add3A, %dma_start3A_110] : memref<16x2352xi32, #tpu.memory_space<hbm>> -> memref<1x2352xi32, #tpu.memory_space<hbm>>
        %dma_start3A_112 = tpu.memref_squeeze %dma_start3A_111 : memref<1x2352xi32, #tpu.memory_space<hbm>> -> memref<2352xi32, #tpu.memory_space<hbm>>
        %dma_start3A_113 = arith.constant 0 : i32
        %dma_start3A_114 = tpu.memref_slice %arg3[%add3A, %dma_start3A_113] : memref<16x2352xi32, #tpu.memory_space<hbm>> -> memref<1x2352xi32, #tpu.memory_space<hbm>>
        %dma_start3A_115 = tpu.memref_squeeze %dma_start3A_114 : memref<1x2352xi32, #tpu.memory_space<hbm>> -> memref<2352xi32, #tpu.memory_space<hbm>>
        %dma_start3A_116 = arith.constant 0 : i32
        %dma_start3A_117 = tpu.memref_slice %arg6[%dma_start3A_116] : memref<3136xi32, #tpu.memory_space<vmem>> -> memref<2352xi32, #tpu.memory_space<vmem>>
        tpu.enqueue_dma source(%dma_start3A_117 : memref<2352xi32, #tpu.memory_space<vmem>>) target(%dma_start3A_115 : memref<2352xi32, #tpu.memory_space<hbm>>) target_semaphore(%run_scoped3A : memref<!tpu.dma_semaphore, #tpu.memory_space<semaphore_mem>>)
        %dma_wait3A = arith.constant 0 : i32
        %dma_wait3A_118 = tpu.memref_slice %arg6[%dma_wait3A] : memref<3136xi32, #tpu.memory_space<vmem>> -> memref<2352xi32, #tpu.memory_space<vmem>>
        %dma_wait3A_119 = arith.constant 0 : i32
        %dma_wait3A_120 = tpu.memref_slice %arg3[%add3A, %dma_wait3A_119] : memref<16x2352xi32, #tpu.memory_space<hbm>> -> memref<1x2352xi32, #tpu.memory_space<hbm>>
        %dma_wait3A_121 = tpu.memref_squeeze %dma_wait3A_120 : memref<1x2352xi32, #tpu.memory_space<hbm>> -> memref<2352xi32, #tpu.memory_space<hbm>>
        %dma_wait3A_122 = arith.constant 0 : i32
        %dma_wait3A_123 = tpu.memref_slice %arg3[%add3A, %dma_wait3A_122] : memref<16x2352xi32, #tpu.memory_space<hbm>> -> memref<1x2352xi32, #tpu.memory_space<hbm>>
        %dma_wait3A_124 = tpu.memref_squeeze %dma_wait3A_123 : memref<1x2352xi32, #tpu.memory_space<hbm>> -> memref<2352xi32, #tpu.memory_space<hbm>>
        %dma_wait3A_125 = arith.constant 0 : i32
        %dma_wait3A_126 = tpu.memref_slice %arg6[%dma_wait3A_125] : memref<3136xi32, #tpu.memory_space<vmem>> -> memref<2352xi32, #tpu.memory_space<vmem>>
        tpu.wait_dma2 semaphore(%run_scoped3A : memref<!tpu.dma_semaphore, #tpu.memory_space<semaphore_mem>>) src(%dma_wait3A_126 : memref<2352xi32, #tpu.memory_space<vmem>>) dst(%dma_wait3A_124 : memref<2352xi32, #tpu.memory_space<hbm>>)
        tpu.yield
      }) : () -> ()
    } else {
    }
    return
  }
}

module attributes {stable_mosaic.version = 14 : i64} {
  func.func @_bcast_body(%arg0: i32, %arg1: i32, %arg2: memref<1x1x3136xf32, #tpu.memory_space<vmem>>, %arg3: memref<1x336x3136xf32, #tpu.memory_space<vmem>>) attributes {dimension_semantics = [#tpu.dimension_semantics<arbitrary>, #tpu.dimension_semantics<arbitrary>], iteration_bounds = array<i64: 16, 7>, scalar_prefetch = 0 : i64, scratch_operands = 0 : i64, tpu.core_type = #tpu.core_type<tc>, window_params = [{transform_indices = @transform_0, window_bounds = array<i64: 1, 1, 3136>}, {transform_indices = @transform_1, window_bounds = array<i64: 1, 336, 3136>}]} {
    %get3A = arith.constant 0 : index
    %get3A_0 = arith.constant 0 : index
    %get3A_1 = arith.constant 0 : index
    %get3A_2 = vector.load %arg2[%get3A, %get3A_0, %get3A_1] : memref<1x1x3136xf32, #tpu.memory_space<vmem>>, vector<1x1x3136xf32>
    %get3A_3 = vector.shape_cast %get3A_2 : vector<1x1x3136xf32> to vector<1x3136xf32>
    %broadcast_in_dim3A = vector.shape_cast %get3A_3 : vector<1x3136xf32> to vector<1x3136xf32>
    %broadcast_in_dim3A_4 = vector.broadcast %broadcast_in_dim3A : vector<1x3136xf32> to vector<336x3136xf32>
    %swap3A = arith.constant 0 : index
    %swap3A_5 = arith.constant 0 : index
    %swap3A_6 = arith.constant 0 : index
    %swap3A_7 = vector.load %arg3[%swap3A, %swap3A_5, %swap3A_6] : memref<1x336x3136xf32, #tpu.memory_space<vmem>>, vector<1x336x3136xf32>
    %swap3A_8 = vector.shape_cast %swap3A_7 : vector<1x336x3136xf32> to vector<336x3136xf32>
    %swap3A_9 = vector.shape_cast %broadcast_in_dim3A_4 : vector<336x3136xf32> to vector<1x336x3136xf32>
    tpu.vector_store %arg3[%swap3A, %swap3A_5, %swap3A_6], %swap3A_9 {strides = array<i32>} : memref<1x336x3136xf32, #tpu.memory_space<vmem>>, vector<1x336x3136xf32>,
    return
  }
  func.func @transform_0(%arg0: i32, %arg1: i32) -> (i32, i32, i32) {
    %c0_i32 = arith.constant 0 : i32
    %c0_i32_0 = arith.constant 0 : i32
    %c0_i32_1 = arith.constant 0 : i32
    return %arg0, %c0_i32, %c0_i32_0 : i32, i32, i32
  }
  func.func @transform_1(%arg0: i32, %arg1: i32) -> (i32, i32, i32) {
    %c0_i32 = arith.constant 0 : i32
    %c0_i32_0 = arith.constant 0 : i32
    return %arg0, %arg1, %c0_i32 : i32, i32, i32
  }
}

module attributes {stable_mosaic.version = 14 : i64} {
  func.func @_mask_body(%arg0: memref<16x49xi32, #tpu.memory_space<vmem>>, %arg1: memref<16x3136xf32, #tpu.memory_space<vmem>>) attributes {dimension_semantics = [], scalar_prefetch = 0 : i64, scratch_operands = 0 : i64, tpu.core_type = #tpu.core_type<tc>} {
    %get3A = arith.constant 0 : index
    %get3A_0 = arith.constant 0 : index
    %get3A_1 = vector.load %arg0[%get3A, %get3A_0] : memref<16x49xi32, #tpu.memory_space<vmem>>, vector<16x49xi32>
    %convert_element_type3A = arith.sitofp %get3A_1 : vector<16x49xi32> to vector<16x49xf32>
    %iota3A = tpu.iota {dimensions = array<i32: 1>} : vector<1x3136xi32>
    %jit3A = arith.constant 196 : i32
    %eq3A = arith.constant 0 : i32
    %eq3A_2 = arith.cmpi eq, %jit3A, %eq3A : i32
    %jit3A_3 = arith.constant 1 : i32
    %select_n3A = arith.select %eq3A_2, %jit3A_3, %jit3A : i32
    %rem3A = vector.broadcast %select_n3A : i32 to vector<1x3136xi32>
    %rem3A_4 = arith.remsi %iota3A, %rem3A : vector<1x3136xi32>
    %ne3A = arith.constant 0 : i32
    %ne3A_5 = vector.broadcast %ne3A : i32 to vector<1x3136xi32>
    %ne3A_6 = arith.cmpi ne, %rem3A_4, %ne3A_5 : vector<1x3136xi32>
    %lt3A = arith.constant 0 : i32
    %lt3A_7 = vector.broadcast %lt3A : i32 to vector<1x3136xi32>
    %lt3A_8 = arith.cmpi slt, %rem3A_4, %lt3A_7 : vector<1x3136xi32>
    %lt3A_9 = arith.constant 0 : i32
    %lt3A_10 = arith.cmpi slt, %select_n3A, %lt3A_9 : i32
    %ne3A_11 = vector.broadcast %lt3A_10 : i1 to vector<1x3136xi1>
    %ne3A_12 = vector.broadcast %ne3A_11 : vector<1x3136xi1> to vector<1x3136xi1>
    %ne3A_13 = arith.xori %lt3A_8, %ne3A_12 : vector<1x3136xi1>
    %and3A = arith.andi %ne3A_13, %ne3A_6 : vector<1x3136xi1>
    %add3A = vector.broadcast %select_n3A : i32 to vector<1x3136xi32>
    %add3A_14 = arith.addi %rem3A_4, %add3A : vector<1x3136xi32>
    %select_n3A_15 = arith.select %and3A, %add3A_14, %rem3A_4 : vector<1x3136xi1>, vector<1x3136xi32>
    %jit3A_16 = arith.constant 14 : i32
    %div3A = vector.broadcast %jit3A_16 : i32 to vector<1x3136xi32>
    %div3A_17 = arith.divsi %select_n3A_15, %div3A : vector<1x3136xi32>
    %sign3A = arith.constant 0 : i32
    %sign3A_18 = vector.broadcast %sign3A : i32 to vector<1x3136xi32>
    %sign3A_19 = arith.cmpi sgt, %select_n3A_15, %sign3A_18 : vector<1x3136xi32>
    %sign3A_20 = arith.extui %sign3A_19 : vector<1x3136xi1> to vector<1x3136xi32>
    %sign3A_21 = arith.constant 0 : i32
    %sign3A_22 = vector.broadcast %sign3A_21 : i32 to vector<1x3136xi32>
    %sign3A_23 = arith.cmpi slt, %select_n3A_15, %sign3A_22 : vector<1x3136xi32>
    %sign3A_24 = arith.extui %sign3A_23 : vector<1x3136xi1> to vector<1x3136xi32>
    %sign3A_25 = arith.subi %sign3A_20, %sign3A_24 : vector<1x3136xi32>
    %sign3A_26 = arith.constant 0 : i32
    %sign3A_27 = arith.cmpi sgt, %jit3A_16, %sign3A_26 : i32
    %sign3A_28 = arith.extui %sign3A_27 : i1 to i32
    %sign3A_29 = arith.constant 0 : i32
    %sign3A_30 = arith.cmpi slt, %jit3A_16, %sign3A_29 : i32
    %sign3A_31 = arith.extui %sign3A_30 : i1 to i32
    %sign3A_32 = arith.subi %sign3A_28, %sign3A_31 : i32
    %ne3A_33 = vector.broadcast %sign3A_32 : i32 to vector<1x3136xi32>
    %ne3A_34 = arith.cmpi ne, %sign3A_25, %ne3A_33 : vector<1x3136xi32>
    %rem3A_35 = vector.broadcast %jit3A_16 : i32 to vector<1x3136xi32>
    %rem3A_36 = arith.remsi %select_n3A_15, %rem3A_35 : vector<1x3136xi32>
    %ne3A_37 = arith.constant 0 : i32
    %ne3A_38 = vector.broadcast %ne3A_37 : i32 to vector<1x3136xi32>
    %ne3A_39 = arith.cmpi ne, %rem3A_36, %ne3A_38 : vector<1x3136xi32>
    %and3A_40 = arith.andi %ne3A_34, %ne3A_39 : vector<1x3136xi1>
    %sub3A = arith.constant 1 : i32
    %sub3A_41 = vector.broadcast %sub3A : i32 to vector<1x3136xi32>
    %sub3A_42 = arith.subi %div3A_17, %sub3A_41 : vector<1x3136xi32>
    %select_n3A_43 = arith.select %and3A_40, %sub3A_42, %div3A_17 : vector<1x3136xi1>, vector<1x3136xi32>
    %jit3A_44 = arith.constant 14 : i32
    %eq3A_45 = arith.constant 0 : i32
    %eq3A_46 = arith.cmpi eq, %jit3A_44, %eq3A_45 : i32
    %jit3A_47 = arith.constant 1 : i32
    %select_n3A_48 = arith.select %eq3A_46, %jit3A_47, %jit3A_44 : i32
    %rem3A_49 = vector.broadcast %select_n3A_48 : i32 to vector<1x3136xi32>
    %rem3A_50 = arith.remsi %iota3A, %rem3A_49 : vector<1x3136xi32>
    %ne3A_51 = arith.constant 0 : i32
    %ne3A_52 = vector.broadcast %ne3A_51 : i32 to vector<1x3136xi32>
    %ne3A_53 = arith.cmpi ne, %rem3A_50, %ne3A_52 : vector<1x3136xi32>
    %lt3A_54 = arith.constant 0 : i32
    %lt3A_55 = vector.broadcast %lt3A_54 : i32 to vector<1x3136xi32>
    %lt3A_56 = arith.cmpi slt, %rem3A_50, %lt3A_55 : vector<1x3136xi32>
    %lt3A_57 = arith.constant 0 : i32
    %lt3A_58 = arith.cmpi slt, %select_n3A_48, %lt3A_57 : i32
    %ne3A_59 = vector.broadcast %lt3A_58 : i1 to vector<1x3136xi1>
    %ne3A_60 = vector.broadcast %ne3A_59 : vector<1x3136xi1> to vector<1x3136xi1>
    %ne3A_61 = arith.xori %lt3A_56, %ne3A_60 : vector<1x3136xi1>
    %and3A_62 = arith.andi %ne3A_61, %ne3A_53 : vector<1x3136xi1>
    %add3A_63 = vector.broadcast %select_n3A_48 : i32 to vector<1x3136xi32>
    %add3A_64 = arith.addi %rem3A_50, %add3A_63 : vector<1x3136xi32>
    %select_n3A_65 = arith.select %and3A_62, %add3A_64, %rem3A_50 : vector<1x3136xi1>, vector<1x3136xi32>
    %jit3A_66 = arith.constant 2 : i32
    %div3A_67 = vector.broadcast %jit3A_66 : i32 to vector<1x3136xi32>
    %div3A_68 = arith.divsi %select_n3A_43, %div3A_67 : vector<1x3136xi32>
    %sign3A_69 = arith.constant 0 : i32
    %sign3A_70 = vector.broadcast %sign3A_69 : i32 to vector<1x3136xi32>
    %sign3A_71 = arith.cmpi sgt, %select_n3A_43, %sign3A_70 : vector<1x3136xi32>
    %sign3A_72 = arith.extui %sign3A_71 : vector<1x3136xi1> to vector<1x3136xi32>
    %sign3A_73 = arith.constant 0 : i32
    %sign3A_74 = vector.broadcast %sign3A_73 : i32 to vector<1x3136xi32>
    %sign3A_75 = arith.cmpi slt, %select_n3A_43, %sign3A_74 : vector<1x3136xi32>
    %sign3A_76 = arith.extui %sign3A_75 : vector<1x3136xi1> to vector<1x3136xi32>
    %sign3A_77 = arith.subi %sign3A_72, %sign3A_76 : vector<1x3136xi32>
    %sign3A_78 = arith.constant 0 : i32
    %sign3A_79 = arith.cmpi sgt, %jit3A_66, %sign3A_78 : i32
    %sign3A_80 = arith.extui %sign3A_79 : i1 to i32
    %sign3A_81 = arith.constant 0 : i32
    %sign3A_82 = arith.cmpi slt, %jit3A_66, %sign3A_81 : i32
    %sign3A_83 = arith.extui %sign3A_82 : i1 to i32
    %sign3A_84 = arith.subi %sign3A_80, %sign3A_83 : i32
    %ne3A_85 = vector.broadcast %sign3A_84 : i32 to vector<1x3136xi32>
    %ne3A_86 = arith.cmpi ne, %sign3A_77, %ne3A_85 : vector<1x3136xi32>
    %rem3A_87 = vector.broadcast %jit3A_66 : i32 to vector<1x3136xi32>
    %rem3A_88 = arith.remsi %select_n3A_43, %rem3A_87 : vector<1x3136xi32>
    %ne3A_89 = arith.constant 0 : i32
    %ne3A_90 = vector.broadcast %ne3A_89 : i32 to vector<1x3136xi32>
    %ne3A_91 = arith.cmpi ne, %rem3A_88, %ne3A_90 : vector<1x3136xi32>
    %and3A_92 = arith.andi %ne3A_86, %ne3A_91 : vector<1x3136xi1>
    %sub3A_93 = arith.constant 1 : i32
    %sub3A_94 = vector.broadcast %sub3A_93 : i32 to vector<1x3136xi32>
    %sub3A_95 = arith.subi %div3A_68, %sub3A_94 : vector<1x3136xi32>
    %select_n3A_96 = arith.select %and3A_92, %sub3A_95, %div3A_68 : vector<1x3136xi1>, vector<1x3136xi32>
    %mul3A = arith.constant 7 : i32
    %mul3A_97 = vector.broadcast %mul3A : i32 to vector<1x3136xi32>
    %mul3A_98 = arith.muli %select_n3A_96, %mul3A_97 : vector<1x3136xi32>
    %jit3A_99 = arith.constant 2 : i32
    %div3A_100 = vector.broadcast %jit3A_99 : i32 to vector<1x3136xi32>
    %div3A_101 = arith.divsi %select_n3A_65, %div3A_100 : vector<1x3136xi32>
    %sign3A_102 = arith.constant 0 : i32
    %sign3A_103 = vector.broadcast %sign3A_102 : i32 to vector<1x3136xi32>
    %sign3A_104 = arith.cmpi sgt, %select_n3A_65, %sign3A_103 : vector<1x3136xi32>
    %sign3A_105 = arith.extui %sign3A_104 : vector<1x3136xi1> to vector<1x3136xi32>
    %sign3A_106 = arith.constant 0 : i32
    %sign3A_107 = vector.broadcast %sign3A_106 : i32 to vector<1x3136xi32>
    %sign3A_108 = arith.cmpi slt, %select_n3A_65, %sign3A_107 : vector<1x3136xi32>
    %sign3A_109 = arith.extui %sign3A_108 : vector<1x3136xi1> to vector<1x3136xi32>
    %sign3A_110 = arith.subi %sign3A_105, %sign3A_109 : vector<1x3136xi32>
    %sign3A_111 = arith.constant 0 : i32
    %sign3A_112 = arith.cmpi sgt, %jit3A_99, %sign3A_111 : i32
    %sign3A_113 = arith.extui %sign3A_112 : i1 to i32
    %sign3A_114 = arith.constant 0 : i32
    %sign3A_115 = arith.cmpi slt, %jit3A_99, %sign3A_114 : i32
    %sign3A_116 = arith.extui %sign3A_115 : i1 to i32
    %sign3A_117 = arith.subi %sign3A_113, %sign3A_116 : i32
    %ne3A_118 = vector.broadcast %sign3A_117 : i32 to vector<1x3136xi32>
    %ne3A_119 = arith.cmpi ne, %sign3A_110, %ne3A_118 : vector<1x3136xi32>
    %rem3A_120 = vector.broadcast %jit3A_99 : i32 to vector<1x3136xi32>
    %rem3A_121 = arith.remsi %select_n3A_65, %rem3A_120 : vector<1x3136xi32>
    %ne3A_122 = arith.constant 0 : i32
    %ne3A_123 = vector.broadcast %ne3A_122 : i32 to vector<1x3136xi32>
    %ne3A_124 = arith.cmpi ne, %rem3A_121, %ne3A_123 : vector<1x3136xi32>
    %and3A_125 = arith.andi %ne3A_119, %ne3A_124 : vector<1x3136xi1>
    %sub3A_126 = arith.constant 1 : i32
    %sub3A_127 = vector.broadcast %sub3A_126 : i32 to vector<1x3136xi32>
    %sub3A_128 = arith.subi %div3A_101, %sub3A_127 : vector<1x3136xi32>
    %select_n3A_129 = arith.select %and3A_125, %sub3A_128, %div3A_101 : vector<1x3136xi1>, vector<1x3136xi32>
    %add3A_130 = arith.addi %mul3A_98, %select_n3A_129 : vector<1x3136xi32>
    %iota3A_131 = tpu.iota {dimensions = array<i32: 0>} : vector<49x1xi32>
    %eq3A_132 = vector.broadcast %add3A_130 : vector<1x3136xi32> to vector<49x3136xi32>
    %eq3A_133 = vector.broadcast %iota3A_131 : vector<49x1xi32> to vector<49x3136xi32>
    %eq3A_134 = arith.cmpi eq, %eq3A_132, %eq3A_133 : vector<49x3136xi32>
    %convert_element_type3A_135 = arith.extui %eq3A_134 : vector<49x3136xi1> to vector<49x3136xi32>
    %convert_element_type3A_136 = arith.sitofp %convert_element_type3A_135 : vector<49x3136xi32> to vector<49x3136xf32>
    %dot_general3A = arith.constant dense<0.000000e+00> : vector<16x3136xf32>
    %dot_general3A_137 = tpu.matmul %convert_element_type3A, %convert_element_type3A_136, %dot_general3A {dimension_numbers = #tpu.dot_dimension_numbers<[1], [0], [0], [1], [0, 0, 1, 1], [], []>, transpose_lhs_hint = false} : vector<16x49xf32>, vector<49x3136xf32>, vector<16x3136xf32> -> vector<16x3136xf32>
    %convert_element_type3A_138 = arith.fptosi %dot_general3A_137 : vector<16x3136xf32> to vector<16x3136xi32>
    %jit3A_139 = arith.constant 196 : i32
    %div3A_140 = vector.broadcast %jit3A_139 : i32 to vector<1x3136xi32>
    %div3A_141 = arith.divsi %iota3A, %div3A_140 : vector<1x3136xi32>
    %sign3A_142 = arith.constant 0 : i32
    %sign3A_143 = vector.broadcast %sign3A_142 : i32 to vector<1x3136xi32>
    %sign3A_144 = arith.cmpi sgt, %iota3A, %sign3A_143 : vector<1x3136xi32>
    %sign3A_145 = arith.extui %sign3A_144 : vector<1x3136xi1> to vector<1x3136xi32>
    %sign3A_146 = arith.constant 0 : i32
    %sign3A_147 = vector.broadcast %sign3A_146 : i32 to vector<1x3136xi32>
    %sign3A_148 = arith.cmpi slt, %iota3A, %sign3A_147 : vector<1x3136xi32>
    %sign3A_149 = arith.extui %sign3A_148 : vector<1x3136xi1> to vector<1x3136xi32>
    %sign3A_150 = arith.subi %sign3A_145, %sign3A_149 : vector<1x3136xi32>
    %sign3A_151 = arith.constant 0 : i32
    %sign3A_152 = arith.cmpi sgt, %jit3A_139, %sign3A_151 : i32
    %sign3A_153 = arith.extui %sign3A_152 : i1 to i32
    %sign3A_154 = arith.constant 0 : i32
    %sign3A_155 = arith.cmpi slt, %jit3A_139, %sign3A_154 : i32
    %sign3A_156 = arith.extui %sign3A_155 : i1 to i32
    %sign3A_157 = arith.subi %sign3A_153, %sign3A_156 : i32
    %ne3A_158 = vector.broadcast %sign3A_157 : i32 to vector<1x3136xi32>
    %ne3A_159 = arith.cmpi ne, %sign3A_150, %ne3A_158 : vector<1x3136xi32>
    %rem3A_160 = vector.broadcast %jit3A_139 : i32 to vector<1x3136xi32>
    %rem3A_161 = arith.remsi %iota3A, %rem3A_160 : vector<1x3136xi32>
    %ne3A_162 = arith.constant 0 : i32
    %ne3A_163 = vector.broadcast %ne3A_162 : i32 to vector<1x3136xi32>
    %ne3A_164 = arith.cmpi ne, %rem3A_161, %ne3A_163 : vector<1x3136xi32>
    %and3A_165 = arith.andi %ne3A_159, %ne3A_164 : vector<1x3136xi1>
    %sub3A_166 = arith.constant 1 : i32
    %sub3A_167 = vector.broadcast %sub3A_166 : i32 to vector<1x3136xi32>
    %sub3A_168 = arith.subi %div3A_141, %sub3A_167 : vector<1x3136xi32>
    %select_n3A_169 = arith.select %and3A_165, %sub3A_168, %div3A_141 : vector<1x3136xi1>, vector<1x3136xi32>
    %jit3A_170 = arith.constant 2 : i32
    %eq3A_171 = arith.constant 0 : i32
    %eq3A_172 = arith.cmpi eq, %jit3A_170, %eq3A_171 : i32
    %jit3A_173 = arith.constant 1 : i32
    %select_n3A_174 = arith.select %eq3A_172, %jit3A_173, %jit3A_170 : i32
    %rem3A_175 = vector.broadcast %select_n3A_174 : i32 to vector<1x3136xi32>
    %rem3A_176 = arith.remsi %select_n3A_43, %rem3A_175 : vector<1x3136xi32>
    %ne3A_177 = arith.constant 0 : i32
    %ne3A_178 = vector.broadcast %ne3A_177 : i32 to vector<1x3136xi32>
    %ne3A_179 = arith.cmpi ne, %rem3A_176, %ne3A_178 : vector<1x3136xi32>
    %lt3A_180 = arith.constant 0 : i32
    %lt3A_181 = vector.broadcast %lt3A_180 : i32 to vector<1x3136xi32>
    %lt3A_182 = arith.cmpi slt, %rem3A_176, %lt3A_181 : vector<1x3136xi32>
    %lt3A_183 = arith.constant 0 : i32
    %lt3A_184 = arith.cmpi slt, %select_n3A_174, %lt3A_183 : i32
    %ne3A_185 = vector.broadcast %lt3A_184 : i1 to vector<1x3136xi1>
    %ne3A_186 = vector.broadcast %ne3A_185 : vector<1x3136xi1> to vector<1x3136xi1>
    %ne3A_187 = arith.xori %lt3A_182, %ne3A_186 : vector<1x3136xi1>
    %and3A_188 = arith.andi %ne3A_187, %ne3A_179 : vector<1x3136xi1>
    %add3A_189 = vector.broadcast %select_n3A_174 : i32 to vector<1x3136xi32>
    %add3A_190 = arith.addi %rem3A_176, %add3A_189 : vector<1x3136xi32>
    %select_n3A_191 = arith.select %and3A_188, %add3A_190, %rem3A_176 : vector<1x3136xi1>, vector<1x3136xi32>
    %mul3A_192 = arith.constant 2 : i32
    %mul3A_193 = vector.broadcast %mul3A_192 : i32 to vector<1x3136xi32>
    %mul3A_194 = arith.muli %select_n3A_191, %mul3A_193 : vector<1x3136xi32>
    %jit3A_195 = arith.constant 2 : i32
    %eq3A_196 = arith.constant 0 : i32
    %eq3A_197 = arith.cmpi eq, %jit3A_195, %eq3A_196 : i32
    %jit3A_198 = arith.constant 1 : i32
    %select_n3A_199 = arith.select %eq3A_197, %jit3A_198, %jit3A_195 : i32
    %rem3A_200 = vector.broadcast %select_n3A_199 : i32 to vector<1x3136xi32>
    %rem3A_201 = arith.remsi %select_n3A_65, %rem3A_200 : vector<1x3136xi32>
    %ne3A_202 = arith.constant 0 : i32
    %ne3A_203 = vector.broadcast %ne3A_202 : i32 to vector<1x3136xi32>
    %ne3A_204 = arith.cmpi ne, %rem3A_201, %ne3A_203 : vector<1x3136xi32>
    %lt3A_205 = arith.constant 0 : i32
    %lt3A_206 = vector.broadcast %lt3A_205 : i32 to vector<1x3136xi32>
    %lt3A_207 = arith.cmpi slt, %rem3A_201, %lt3A_206 : vector<1x3136xi32>
    %lt3A_208 = arith.constant 0 : i32
    %lt3A_209 = arith.cmpi slt, %select_n3A_199, %lt3A_208 : i32
    %ne3A_210 = vector.broadcast %lt3A_209 : i1 to vector<1x3136xi1>
    %ne3A_211 = vector.broadcast %ne3A_210 : vector<1x3136xi1> to vector<1x3136xi1>
    %ne3A_212 = arith.xori %lt3A_207, %ne3A_211 : vector<1x3136xi1>
    %and3A_213 = arith.andi %ne3A_212, %ne3A_204 : vector<1x3136xi1>
    %add3A_214 = vector.broadcast %select_n3A_199 : i32 to vector<1x3136xi32>
    %add3A_215 = arith.addi %rem3A_201, %add3A_214 : vector<1x3136xi32>
    %select_n3A_216 = arith.select %and3A_213, %add3A_215, %rem3A_201 : vector<1x3136xi1>, vector<1x3136xi32>
    %add3A_217 = arith.addi %mul3A_194, %select_n3A_216 : vector<1x3136xi32>
    %sub3A_218 = arith.subi %add3A_217, %select_n3A_169 : vector<1x3136xi32>
    %add3A_219 = arith.constant 1 : i32
    %add3A_220 = vector.broadcast %add3A_219 : i32 to vector<1x3136xi32>
    %add3A_221 = arith.addi %sub3A_218, %add3A_220 : vector<1x3136xi32>
    %jit3A_222 = arith.constant 4 : i32
    %eq3A_223 = arith.constant 0 : i32
    %eq3A_224 = arith.cmpi eq, %jit3A_222, %eq3A_223 : i32
    %jit3A_225 = arith.constant 1 : i32
    %select_n3A_226 = arith.select %eq3A_224, %jit3A_225, %jit3A_222 : i32
    %rem3A_227 = vector.broadcast %select_n3A_226 : i32 to vector<1x3136xi32>
    %rem3A_228 = arith.remsi %add3A_221, %rem3A_227 : vector<1x3136xi32>
    %ne3A_229 = arith.constant 0 : i32
    %ne3A_230 = vector.broadcast %ne3A_229 : i32 to vector<1x3136xi32>
    %ne3A_231 = arith.cmpi ne, %rem3A_228, %ne3A_230 : vector<1x3136xi32>
    %lt3A_232 = arith.constant 0 : i32
    %lt3A_233 = vector.broadcast %lt3A_232 : i32 to vector<1x3136xi32>
    %lt3A_234 = arith.cmpi slt, %rem3A_228, %lt3A_233 : vector<1x3136xi32>
    %lt3A_235 = arith.constant 0 : i32
    %lt3A_236 = arith.cmpi slt, %select_n3A_226, %lt3A_235 : i32
    %ne3A_237 = vector.broadcast %lt3A_236 : i1 to vector<1x3136xi1>
    %ne3A_238 = vector.broadcast %ne3A_237 : vector<1x3136xi1> to vector<1x3136xi1>
    %ne3A_239 = arith.xori %lt3A_234, %ne3A_238 : vector<1x3136xi1>
    %and3A_240 = arith.andi %ne3A_239, %ne3A_231 : vector<1x3136xi1>
    %add3A_241 = vector.broadcast %select_n3A_226 : i32 to vector<1x3136xi32>
    %add3A_242 = arith.addi %rem3A_228, %add3A_241 : vector<1x3136xi32>
    %select_n3A_243 = arith.select %and3A_240, %add3A_242, %rem3A_228 : vector<1x3136xi1>, vector<1x3136xi32>
    %broadcast_in_dim3A = vector.shape_cast %select_n3A_243 : vector<1x3136xi32> to vector<1x3136xi32>
    %broadcast_in_dim3A_244 = vector.broadcast %broadcast_in_dim3A : vector<1x3136xi32> to vector<16x3136xi32>
    %eq3A_245 = arith.cmpi eq, %convert_element_type3A_138, %broadcast_in_dim3A_244 : vector<16x3136xi32>
    %jit3A_246 = arith.constant 1.000000e+00 : f32
    %jit3A_247 = arith.constant 0.000000e+00 : f32
    %broadcast_in_dim3A_248 = vector.broadcast %jit3A_246 : f32 to vector<16x3136xf32>
    %broadcast_in_dim3A_249 = vector.broadcast %jit3A_247 : f32 to vector<16x3136xf32>
    %select_n3A_250 = arith.select %eq3A_245, %broadcast_in_dim3A_248, %broadcast_in_dim3A_249 : vector<16x3136xi1>, vector<16x3136xf32>
    %swap3A = arith.constant 0 : index
    %swap3A_251 = arith.constant 0 : index
    %swap3A_252 = vector.load %arg1[%swap3A, %swap3A_251] : memref<16x3136xf32, #tpu.memory_space<vmem>>, vector<16x3136xf32>
    tpu.vector_store %arg1[%swap3A, %swap3A_251], %select_n3A_250 {strides = array<i32>} : memref<16x3136xf32, #tpu.memory_space<vmem>>, vector<16x3136xf32>,
    return
  }
}

</mosaic_0001>

<sc_bundles>
// kernel: kernel.5.cloned.1.call-start
scs
__scs_entry_jumppad:
0x0: {  	(pc) =	sbr.rel $0x88, $3  }
0x1: {  	(tag) =	ssettag $0x0;
	lr =	simm.s32 $0x1  }
0x2: {  	[smem:$0x3F9F] =	sst lr;
	_ =	strace $0xD0000000  }
0x3: {  	_ = 	snop  }
0x4: {  	_ = 	snop  }
0x5: {  	_ = 	snop  }
0x6: {  	_ = 	snop  }
0x7: {  	_ = 	snop  }
__scs_overlays_trampoline_lowered:
0x8: {  	[smem:$0x3FAE] =	sst s0  }
0x9: {  	[smem:$0x3FAF] =	sst s1  }
0xa: {  	[smem:$0x3FB0] =	sst s2  }
0xb: {  	[smem:$0x3FB1] =	sst s3  }
0xc: {  	[smem:$0x3FB2] =	sst s4  }
0xd: {  	[smem:$0x3FB3] =	sst s5  }
0xe: {  	[smem:$0x3FB4] =	sst s6  }
0xf: {  	[smem:$0x3FB5] =	sst s7  }
0x10: {  	[smem:$0x3FB6] =	sst s8  }
0x11: {  	[smem:$0x3FB7] =	sst s9;
	s0 =	simm.s32 @!p0 $0x0  }
0x12: {  	s1 =	sld [smem:$0x3F9D];
	s0 =	simm.s32 @p0 $0x1  }
0x13: {  	[smem:$0x3FB8] =	sst s0;
	s0 =	simm.s32 @!p1 $0x0  }
0x14: {  	s2 =	sld [smem:$0x3F9C];
	s0 =	simm.s32 @p1 $0x1  }
0x15: {  	[smem:$0x3FB9] =	sst s0;
	s0 =	simm.s32 @!p2 $0x0  }
0x16: {  	s3 =	sld [smem:$0x3FDB];
	s0 =	simm.s32 @p2 $0x1  }
0x17: {  	s4 =	simm.s32 $0x1BF5;
	[smem:$0x3FBB] =	sst s0  }
0x18: {  	s0 =	sld [smem:$0x3F9E];
	_ =	swait.ge [sflag:s4], $0x0  }
0x19: {  	s7 =	sld [smem:$0x3F9F]  }
0x1a: {  	s8 =	sadd.s32 $0xFFFFE003, lr  }
0x1b: {  	s9 =	sadd.s32 $0xFFFFFEF7, lr;
	s5 =	simm.s32 $0xFFFFFFFF;
	p2 =	slt.u32 s8, $0xFFFFF086  }
0x1c: {  	p1 =	slt.u32 s9, $0xF7A;
	s5 =	simm.s32 @!p2 $0x0  }
0x1d: {  	s5 =	simm.s32 @p1 $0x1;
	p0 =	seq.s32 s7, s2  }
0x1e: {  	s7 =	smul.u32 @!p0 $0xF7A, s2;
	p2 =	seq.s32 @!p0 s5, $0x0  }
0x1f: {  	s9 =	smul.u32 $0xF7A, s1;
	s8 =	simm.s32 @!p0 $0x1BF5;
	p2 =	por !p2, p0  }
0x20: {  	[sflag:s8] =	ssyncset.s32 @!p0 $0xFFFFF086;
	s6 =	sadd.s32 @!p0 s3, s7;
	s7 =	simm.s32 @!p0 $0x108  }
0x21: {  	s3 =	sadd.s32 s3, s9;
	s6 =	sadd.s32 @!p0 $0x88, s6;
	s7 =	simm.s32 @p2 $0x1082  }
0x22: {  	[simem:s7], [sflag:s8] =	dma.local @!p0 [hbm:s6], $0xF7A  }
0x23: {  	s9 =	sor.u32 $0xD0000000, s2;
	s6 =	simm.s32 $0x108;
	_ =	swait.ge @!p0 [sflag:s8], $0x0  }
0x24: {  	s3 =	sadd.s32 $0x88, s3;
	s6 =	simm.s32 @!p1 $0x1082;
	[sflag:s4] =	ssyncset.s32 $0xFFFFF086  }
0x25: {  	[simem:s6], [sflag:s4] =	dma.local [hbm:s3], $0xF7A  }
0x26: {  	[smem:$0x3F9F] =	sst s1;
	(tag) =	ssettag s2;
	_ =	strace s9  }
0x27: {  	s1 =	sld [smem:$0x3FAF]  }
0x28: {  	s2 =	sld [smem:$0x3FB0]  }
0x29: {  	s4 =	sld [smem:$0x3FB2]  }
0x2a: {  	p0 =	seq.s32 s5, $0x0;
	s5 =	sld [smem:$0x3FB3]  }
0x2b: {  	s6 =	sld [smem:$0x3FB4]  }
0x2c: {  	s7 =	sld [smem:$0x3FB5]  }
0x2d: {  	s3 =	simm.s32 $0x108;
	s8 =	sld [smem:$0x3FB6]  }
0x2e: {  	s3 =	simm.s32 @!p0 $0x1082;
	s9 =	sld [smem:$0x3FB7]  }
0x2f: {  	lr =	sadd.s32 s0, s3;
	s0 =	sld [smem:$0x3FAE]  }
0x30: {  	s3 =	sld [smem:$0x3FB1]  }
0x31: {  	[smem:$0x3FBA] =	sst s10  }
0x32: {  	s10 =	sld [smem:$0x3FB8];
	_ =	sdelay $0x3  }
0x33: {  	p0 =	seq.s32 s10, $0x1;
	s10 =	sld [smem:$0x3FBA];
	_ =	sdelay $0x3  }
0x34: {  	[smem:$0x3FBA] =	sst s10  }
0x35: {  	s10 =	sld [smem:$0x3FB9];
	_ =	sdelay $0x3  }
0x36: {  	p1 =	seq.s32 s10, $0x1;
	s10 =	sld [smem:$0x3FBA];
	_ =	sdelay $0x3  }
0x37: {  	[smem:$0x3FBA] =	sst s10  }
0x38: {  	s10 =	sld [smem:$0x3FBB]  }
0x39: {  	_ = 	snop;
	(pc) =	sbr.ind lr, $3  }
0x3a: {  	_ = 	snop  }
0x3b: {  	_ = 	snop  }
0x3c: {  	p2 =	seq.s32 s10, $0x1;
	s10 =	sld [smem:$0x3FBA]  }
0x3d: {  	_ =	shalt  }
0x3e: {  	_ =	shalt  }
0x3f: {  	_ =	shalt  }
0x40: {  	_ =	shalt  }
0x41: {  	_ =	shalt  }
0x42: {  	_ =	shalt  }
0x43: {  	_ =	shalt  }
0x44: {  	_ =	shalt  }
0x45: {  	_ =	shalt  }
0x46: {  	_ =	shalt  }
0x47: {  	_ =	shalt  }
0x48: {  	_ =	shalt  }
0x49: {  	_ =	shalt  }
0x4a: {  	_ =	shalt  }
0x4b: {  	_ =	shalt  }
0x4c: {  	_ =	shalt  }
0x4d: {  	_ =	shalt  }
0x4e: {  	_ =	shalt  }
0x4f: {  	_ =	shalt  }
0x50: {  	_ =	shalt  }
0x51: {  	_ =	shalt  }
0x52: {  	_ =	shalt  }
0x53: {  	_ =	shalt  }
0x54: {  	_ =	shalt  }
0x55: {  	_ =	shalt  }
0x56: {  	_ =	shalt  }
0x57: {  	_ =	shalt  }
0x58: {  	_ =	shalt  }
0x59: {  	_ =	shalt  }
0x5a: {  	_ =	shalt  }
0x5b: {  	_ =	shalt  }
0x5c: {  	_ =	shalt  }
0x5d: {  	_ =	shalt  }
0x5e: {  	_ =	shalt  }
0x5f: {  	_ =	shalt  }
0x60: {  	_ =	shalt  }
0x61: {  	_ =	shalt  }
0x62: {  	_ =	shalt  }
0x63: {  	_ =	shalt  }
0x64: {  	_ =	shalt  }
0x65: {  	_ =	shalt  }
0x66: {  	_ =	shalt  }
0x67: {  	_ =	shalt  }
0x68: {  	_ =	shalt  }
0x69: {  	_ =	shalt  }
0x6a: {  	_ =	shalt  }
0x6b: {  	_ =	shalt  }
0x6c: {  	_ =	shalt  }
0x6d: {  	_ =	shalt  }
0x6e: {  	_ =	shalt  }
0x6f: {  	_ =	shalt  }
0x70: {  	_ =	shalt  }
0x71: {  	_ =	shalt  }
0x72: {  	_ =	shalt  }
0x73: {  	_ =	shalt  }
0x74: {  	_ =	shalt  }
0x75: {  	_ =	shalt  }
0x76: {  	_ =	shalt  }
0x77: {  	_ =	shalt  }
0x78: {  	_ =	shalt  }
0x79: {  	_ =	shalt  }
0x7a: {  	_ =	shalt  }
0x7b: {  	_ =	shalt  }
0x7c: {  	_ =	shalt  }
0x7d: {  	_ =	shalt  }
0x7e: {  	_ =	shalt  }
0x7f: {  	_ =	shalt  }
0x80: {  	_ =	shalt  }
0x81: {  	_ =	shalt  }
0x82: {  	_ =	shalt  }
0x83: {  	_ =	shalt  }
0x84: {  	_ =	shalt  }
0x85: {  	_ =	shalt  }
0x86: {  	_ =	shalt  }
0x87: {  	_ =	shalt  }
.Lfunc_end0:
.L_simem_size_0:
called_computation_lowered:
.L_overlay_start_0:
0x88: {  	s2 =	sld [smem:$0x3FD9]  }
0x89: {  	s3 =	sld [smem:$0x3FFE];
	_ =	sdelay $0x1  }
0x8a: {  	s1 =	srdreg.scid  }
0x8b: {  	s0 =	sand.u32 $0x1, s1  }
0x8c: {  	s16 =	sshll.u32 s0, $0xA;
	s2 =	sadd.s32 s3, s2  }
0x8d: {  	s2 =	sadd.s32 s2, s16  }
0x8e: {  	[smem:$0x3FC6] =	sst s2  }
0x8f: {  	_ = 	snop  }
0x90: {  	(tm) =	ssettm $0x1  }
0x91: {  	s17 =	sld [smem:$0x3FFB];
	_ =	sdelay $0x3  }
0x92: {  	_ =	strace s17  }
0x93: {  	s2 =	sld [smem:$0x3FFC];
	_ =	sdelay $0x3  }
0x94: {  	_ =	strace s2  }
0x95: {  	s2 =	sld [smem:$0x3FFD];
	_ =	sdelay $0x3  }
0x96: {  	_ =	strace s2  }
0x97: {  	_ =	strace $0x8FFFFFFF  }
0x98: {  	s18 =	sld [smem:$0x3FDB];
	_ =	sdelay $0x1  }
0x99: {  	s19 =	simm.s32 $_scs_section_size  }
0x9a: {  	s4 =	simm.s32 $_size__tile_overlayer_lowered;
	s5 =	simm.s32 $_tile_overlayer_lowered  }
0x9b: {  	s22 =	simm.s32 $0x1BFF;
	s21 =	sshll.u32 s5, $0x1;
	s2 =	sadd.s32 s19, s18  }
0x9c: {  	s6 =	simm.s32 $0x0;
	s20 =	sshll.u32 s4, $0x1;
	s4 =	sadd.s32 s21, s2  }
0x9d: {  	[timem:s6], [sflag:s22] =	dma.local [hbm:s4], s20  }
0x9e: {  	_ =	swait.ge [sflag:s22], s20  }
0x9f: {  	s3 =	ssub.s32 $0x0, s20;
	[sflag:s22] =	ssyncset.done $0x0  }
0xa0: {  	[sflag:s22] =	ssyncadd.s32 s3;
	_ =	sdelay $0x1  }
0xa1: {  	s23 =	simm.s32 $0x1B8B  }
0xa2: {  	_ =	swait.ge [sflag:s23], $0x1  }
0xa3: {  	[sflag:s23] =	ssyncset.done $0x0  }
0xa4: {  	s25 =	simm.s32 $0x1B8E;
	s24 =	sld [smem:$0x3FFE];
	[sflag:s23] =	ssyncadd.s32 $0xFFFFFFFF  }
0xa5: {  	s26 =	simm.s32 $execute0_lowered;
	[smem:$0x3FD2] =	sst s25  }
0xa6: {  	s4 =	sshll.u32 s26, $0x1;
	_ =	strace $0x80000046;
	[dreg:$0x1] =	wrdreg $0xFFFFFFFF  }
0xa7: {  	s28 =	simm.s32 $_size_execute0_lowered;
	s2 =	sadd.s32 s2, s4;
	[dreg:$0x0] =	wrdreg $0x0  }
0xa8: {  	s4 =	sshll.u32 s28, $0x1;
	[dreg:$0x2] =	wrdreg s2  }
0xa9: {  	[dreg:$0x3] =	wrdreg s4  }
0xaa: {  	[dreg:$0x4] =	wrdreg $0xC0  }
0xab: {  	_ =	task [dreg:s6], $0x5FFFF  }
0xac: {  	[dreg:$0x1] =	wrdreg $0xFFFFFFFF  }
0xad: {  	[dreg:$0x0] =	wrdreg $0x60  }
0xae: {  	[dreg:$0x2] =	wrdreg s24  }
0xaf: {  	[dreg:$0x3] =	wrdreg $0x9  }
0xb0: {  	_ =	task.clear_ibuf [dreg:s6], $0x4FFFF;
	_ =	strace $0x90000046  }
0xb1: {  	s29 =	simm.s32 $0x9;
	_ =	strace $0x80000048  }
0xb2: {  	_ =	swait.ge [sflag:s29], $0x1  }
0xb3: {  	[sflag:s29] =	ssyncadd.s32 $0xFFFFFFFF  }
0xb4: {  	_ =	strace $0x90000048  }
0xb5: {  	_ =	sfence  }
0xb6: {  	s30 =	sld [smem:$0x0];
	_ =	sdelay $0x2  }
0xb7: {  	s31 =	sshll.u32 s1, $0xD;
	s1 =	sshrl.u32 s1, $0x2  }
0xb8: {  	s3 =	sand.u32 $0x4000, s31;
	s1 =	sadd.s32 s1, s30  }
0xb9: {  	s0 =	sor.u32 s3, s0;
	s1 =	sshll.u32 s1, $0x11  }
0xba: {  	s0 =	sor.u32 s1, s0  }
0xbb: {  	s0 =	sadd.s32 $0x8F2B, s0  }
0xbc: {  	[sflag:s0] =	ssyncadd.remote.s32 $0x1  }
0xbd: {  	_ =	sfence.sel $0xFFFF  }
0xbe: {  	[dreg:$0x0] =	wrdreg $0xFFFFFFFF;
	(pc) =	sbr.abs _section_cstart, $3  }
0xbf: {  	[dreg:$0x1] =	wrdreg $0xFFFFFFFF  }
0xc0: {  	_ =	task.clear_ibuf [dreg:s6], $0x2FFFF;
	_ =	strace $0x9FFFFFFF  }
0xc1: {  	(tm) =	ssettm $0x7FFFFFFF  }
tec
execute0_lowered:
.L_overlay_start_1:
0x0: {  	(tag) =	ssettag $0x1  }
0x1: {  	s1 =	stileid.u32  }
0x2: {  	p0 =	sgt.u32 s1, $0x7  }
.Ltmp0:
0x3: {  	_ = 	snop;
	(pc) =	sbr.rel @p0 .LBB2_37-.Ltmp0, $4  }
0x4: {  	_ = 	snop  }
0x5: {  	s3 =	rddreg [dreg:$0x0];
	s2 =	simm.s32 $0x0  }
0x6: {  	[smem:$0x7FF] =	sst s2  }
0x7: {  	s0 =	rddreg [dreg:$0x1];
	_ =	strace $0x80000047  }
0x8: {  	s4 =	srdreg.scid  }
0x9: {  	s5 =	sshll.u32 s1, $0x1;
	s4 =	sand.u32 $0x1, s4  }
0xa: {  	s8 =	sadd.s32 $0x600, s3;
	s9 =	simm.s32 $0x1880;
	s5 =	sor.u32 s4, s5  }
0xb: {  	s10 =	simm.s32 $0x24C0;
	s4 =	ssub.s32 $0x2, s4;
	s6 =	smul.u32 $0x126, s5  }
0xc: {  	s11 =	simm.s32 $0x3100;
	s7 =	sshrl.u32 s4, $0x1;
	s5 =	smul.u32 $0x188, s5  }
0xd: {  	s12 =	simm.s32 $0x0;
	s31 =	ssub.s32 s4, s7;
	s7 =	simm.s32 $0xC40  }
0xe: {  	v0 =	vimm.s32 $0x7FFFFFFF;
	v1 =	vlaneseq.u32;
	v2 =	vimm.s32 $0x0;
	s6 =	sadd.s32 s6, s3;
	s4 =	sadd.s32 s8, s5;
	s5 =	smax.u32 s31, $0x1  }
0xf: {  	v5 =	vimm.s32 $0x1;
	v3 =	vmul.u32 $0xC4, v1;
	v4 =	vor.u32 $0xFF8, v1;
	s8 =	simm.s32 $0x3D40;
	s3 =	sadd.s32 $0x2000, s6;
	s6 =	simm.s32 $0x1  }
.LBB2_2:
0x10: {  	s13 =	simm.s32 $0x0  }
0x11: {  	[tilespmem:s13], [sflag:$0x1] =	stream.linear.gather [hbm4b:s4+s13], $0xC40, $0x38;
	[tilespmem:$0x4D40] =	vst v63  }
0x12: {  	_ =	swait.ge [sflag:s6], $0xC40  }
0x13: {  	[sflag:s6] =	ssyncset.done $0x0  }
0x14: {  	[sflag:s6] =	ssyncadd.s32 $0xFFFFF3C0  }
0x15: {  	v6 =	vld [tilespmem:s13+$0x0];
	_ =	sdelay $0x4  }
0x16: {  	vm0 =	vlt.s32 v6, $0x0  }
0x17: {  	v7 =	vsel vm0, $0x0, v0  }
0x18: {  	v6 =	vxor.u32 v6, v7  }
0x19: {  	[tilespmem:s7+$0x0] =	vst v6;
	v6 =	vor.u32 s13, v1  }
0x1a: {  	s13 =	simm.s32 $0x10;
	[tilespmem:s9+$0x0] =	vst v6  }
0x1b: {  	s16 =	simm.s32 $0x20;
	v6 =	vld [tilespmem:s13+$0x0]  }
0x1c: {  	s15 =	simm.s32 $0xC40;
	s14 =	simm.s32 $0x1880;
	s17 =	simm.s32 $0x10  }
.LBB2_3:
0x1d: {  	p0 =	sne.s32 s16, $0xC30;
	_ =	sdelay $0x2  }
0x1e: {  	vm0 =	vlt.s32 v6, $0x0  }
0x1f: {  	v7 =	vsel vm0, $0x0, v0  }
.Ltmp1:
0x20: {  	s15 =	sadd.s32 $0x10, s15;
	v6 =	vxor.u32 v6, v7;
	(pc) =	sbr.rel @p0 .LBB2_3-.Ltmp1, $4  }
0x21: {  	s14 =	sadd.s32 $0x10, s14;
	[tilespmem:s15+$0x0] =	vst v6;
	v6 =	vor.u32 s13, v1;
	s13 =	smov.u32 s16  }
0x22: {  	s17 =	sadd.s32 $0x10, s17;
	[tilespmem:s14+$0x0] =	vst v6  }
0x23: {  	v6 =	vld [tilespmem:s17+$0x0]  }
0x24: {  	s16 =	sadd.s32 $0x10, s16  }
0x25: {  	_ =	sdelay $0x2  }
0x26: {  	vm0 =	vlt.s32 v6, $0x0  }
0x27: {  	v7 =	vsel vm0, $0x0, v0  }
0x28: {  	s15 =	sadd.s32 $0x10, s15;
	v6 =	vxor.u32 v6, v7  }
0x29: {  	s31 =	sadd.s32 $0x10, s14;
	[tilespmem:s15+$0x0] =	vst v6;
	v6 =	vor.u32 s13, v1  }
0x2a: {  	s14 =	simm.s32 $0x0;
	s13 =	simm.s32 $0x40;
	[tilespmem:s31+$0x0] =	vst v6  }
.LBB2_5:
0x2b: {  	p0 =	sne.s32 s13, $0x3FC0;
	[tilespmem:s14+$0x3D40] =	vst v2;
	s14 =	smov.u32 s13;
	s13 =	sadd.s32 $0x40, s13  }
.Ltmp2:
0x2c: {  	(pc) =	sbr.rel @p0 .LBB2_5-.Ltmp2, $2  }
0x2d: {  	_ =	sdelay $0x2  }
0x2e: {  	s14 =	sshra.s32 s14, $0x2  }
0x2f: {  	s13 =	simm.s32 $0x0  }
0x30: {  	v6 =	vadd.s32 s13, v3;
	_ =	sdelay $0x3  }
0x31: {  	[tilespmem:s14+$0x3D40] =	vst v2  }
0x32: {  	v6 =	vld.idx.msk [tilespmem:v6+s7+$0x0], $0xffff;
	_ =	sdelay $0x4  }
0x33: {  	v6 =	vshll.u32 v6, $0x4  }
0x34: {  	v6 =	vor.u32 v1, v6  }
0x35: {  	s31 =	simm.s32 $0x1;
	v6 =	vand.u32 v4, v6  }
0x36: {  	s14 =	simm.s32 $0x2;
	v7 =	vadd.s32 s31, v3  }
.LBB2_7:
0x37: {  	p0 =	sne.s32 s14, $0xC3;
	_ =	sdelay $0x2  }
0x38: {  	[tilespmem:v6+s8+$0x0] =	vst.idx.add.s32.msk $0xffff, v5  }
0x39: {  	v6 =	vld.idx.msk [tilespmem:v7+s7+$0x0], $0xffff;
	_ =	sdelay $0x4  }
.Ltmp3:
0x3a: {  	(pc) =	sbr.rel @p0 .LBB2_7-.Ltmp3, $4  }
0x3b: {  	v6 =	vshll.u32 v6, $0x4  }
0x3c: {  	v6 =	vor.u32 v1, v6  }
0x3d: {  	v6 =	vand.u32 v4, v6  }
0x3e: {  	v7 =	vadd.s32 s14, v3;
	s14 =	sadd.s32 $0x1, s14  }
0x3f: {  	_ =	sdelay $0x3  }
0x40: {  	[tilespmem:v6+s8+$0x0] =	vst.idx.add.s32.msk $0xffff, v5  }
0x41: {  	v6 =	vld.idx.msk [tilespmem:v7+s7+$0x0], $0xffff;
	_ =	sdelay $0x4  }
0x42: {  	v6 =	vshll.u32 v6, $0x4  }
0x43: {  	v6 =	vor.u32 v1, v6  }
0x44: {  	v6 =	vand.u32 v4, v6;
	_ =	sdelay $0x4  }
0x45: {  	s16 =	simm.s32 $0x0;
	[tilespmem:v6+s8+$0x0] =	vst.idx.add.s32.msk $0xffff, v5  }
0x46: {  	v6 =	vld [tilespmem:s16+$0x3D40];
	_ =	sdelay $0x4  }
0x47: {  	(xrf0) =	vadd.scan.msk.s32 $0xffff, v6;
	_ =	sdelay $0x5  }
0x48: {  	v7, _, _ =	vpop (xrf0)  }
0x49: {  	(v2sf) =	vpush v7, $0xF  }
0x4a: {  	v6 =	vsub.s32 s13, v6  }
0x4b: {  	v6 =	vadd.s32 v7, v6  }
0x4c: {  	s14 =	simm.s32 $0x10;
	s15 =	simm.s32 $0x80;
	[tilespmem:s16+$0x3D40] =	vst v6  }
.LBB2_9:
0x4d: {  	p0 =	sne.s32 s15, $0x3FC0;
	v6 =	vld [tilespmem:s14+$0x3D40];
	_ =	sdelay $0x4  }
0x4e: {  	(xrf0) =	vadd.scan.msk.s32 $0xffff, v6;
	_ =	sdelay $0x5  }
.Ltmp4:
0x4f: {  	v7, _, _ =	vpop (xrf0);
	s16 =	spop (v2sf);
	(pc) =	sbr.rel @p0 .LBB2_9-.Ltmp4, $4  }
0x50: {  	(v2sf) =	vpush v7, $0xF;
	s13 =	sadd.s32 s13, s16  }
0x51: {  	v6 =	vsub.s32 s13, v6  }
0x52: {  	v6 =	vadd.s32 v7, v6  }
0x53: {  	[tilespmem:s14+$0x3D40] =	vst v6;
	s14 =	sshra.s32 s15, $0x2;
	s15 =	sadd.s32 $0x40, s15  }
0x54: {  	_ =	sdelay $0x1  }
0x55: {  	v6 =	vld [tilespmem:s14+$0x3D40];
	_ =	sdelay $0x4  }
0x56: {  	(xrf0) =	vadd.scan.msk.s32 $0xffff, v6;
	_ =	sdelay $0x2  }
0x57: {  	s15 =	simm.s32 $0x0  }
0x58: {  	v8 =	vadd.s32 s15, v3;
	s29 =	spop (v2sf)  }
0x59: {  	s13 =	sadd.s32 s13, s29  }
0x5a: {  	v7, _, _ =	vpop (xrf0);
	v6 =	vsub.s32 s13, v6  }
0x5b: {  	v6 =	vadd.s32 v7, v6  }
0x5c: {  	[tilespmem:s14+$0x3D40] =	vst v6  }
0x5d: {  	v10 =	vld.idx.msk [tilespmem:v8+s7+$0x0], $0xffff;
	_ =	sdelay $0x4  }
0x5e: {  	(v2sf) =	vpush v7, $0xF;
	v6 =	vshll.u32 v10, $0x4  }
0x5f: {  	v6 =	vor.u32 v1, v6  }
0x60: {  	v7 =	vand.u32 v4, v6;
	_ =	sdelay $0x4  }
0x61: {  	v9 =	vld.idx.msk [tilespmem:v7+s8+$0x0], $0xffff;
	_ =	sdelay $0x3  }
0x62: {  	v6 =	vld.idx.msk [tilespmem:v8+s9+$0x0], $0xffff  }
0x63: {  	s30 =	simm.s32 $0x1  }
0x64: {  	v8 =	vadd.s32 s30, v3;
	_ =	sdelay $0x1  }
0x65: {  	s13 =	simm.s32 $0x2;
	s31 =	spop (v2sf);
	[tilespmem:v9+s10+$0x0] =	vst.idx.msk $0xffff, v10  }
.LBB2_11:
0x66: {  	p0 =	sne.s32 s13, $0xC3;
	[tilespmem:v9+s11+$0x0] =	vst.idx.msk $0xffff, v6  }
0x67: {  	[tilespmem:v7+s8+$0x0] =	vst.idx.add.s32.msk $0xffff, v5  }
0x68: {  	v10 =	vld.idx.msk [tilespmem:v8+s7+$0x0], $0xffff  }
0x69: {  	v6 =	vld.idx.msk [tilespmem:v8+s9+$0x0], $0xffff;
	_ =	sdelay $0x4  }
0x6a: {  	v7 =	vshll.u32 v10, $0x4  }
0x6b: {  	v7 =	vor.u32 v1, v7  }
0x6c: {  	v7 =	vand.u32 v4, v7;
	_ =	sdelay $0x4  }
0x6d: {  	v9 =	vld.idx.msk [tilespmem:v7+s8+$0x0], $0xffff;
	_ =	sdelay $0x3  }
.Ltmp5:
0x6e: {  	(pc) =	sbr.rel @p0 .LBB2_11-.Ltmp5, $3  }
0x6f: {  	_ = 	snop  }
0x70: {  	v8 =	vadd.s32 s13, v3;
	_ =	sdelay $0x1  }
0x71: {  	s13 =	sadd.s32 $0x1, s13;
	[tilespmem:v9+s10+$0x0] =	vst.idx.msk $0xffff, v10  }
0x72: {  	_ =	sdelay $0x3  }
0x73: {  	[tilespmem:v9+s11+$0x0] =	vst.idx.msk $0xffff, v6  }
0x74: {  	[tilespmem:v7+s8+$0x0] =	vst.idx.add.s32.msk $0xffff, v5  }
0x75: {  	v6 =	vld.idx.msk [tilespmem:v8+s7+$0x0], $0xffff;
	_ =	sdelay $0x4  }
0x76: {  	v7 =	vshll.u32 v6, $0x4  }
0x77: {  	v7 =	vor.u32 v1, v7  }
0x78: {  	v7 =	vand.u32 v4, v7;
	_ =	sdelay $0x4  }
0x79: {  	v9 =	vld.idx.msk [tilespmem:v7+s8+$0x0], $0xffff;
	_ =	sdelay $0x3  }
0x7a: {  	v63 =	vld.idx.msk [tilespmem:v8+s9+$0x0], $0xffff;
	_ =	sdelay $0x3  }
0x7b: {  	[tilespmem:v9+s10+$0x0] =	vst.idx.msk $0xffff, v6  }
0x7c: {  	[tilespmem:v9+s11+$0x0] =	vst.idx.msk $0xffff, v63  }
0x7d: {  	s13 =	simm.s32 $0x40;
	s14 =	simm.s32 $0x0;
	[tilespmem:v7+s8+$0x0] =	vst.idx.add.s32.msk $0xffff, v5  }
.LBB2_13:
0x7e: {  	p0 =	sne.s32 s13, $0x3FC0;
	[tilespmem:s14+$0x3D40] =	vst v2;
	s14 =	smov.u32 s13;
	s13 =	sadd.s32 $0x40, s13  }
.Ltmp6:
0x7f: {  	(pc) =	sbr.rel @p0 .LBB2_13-.Ltmp6, $2  }
0x80: {  	_ =	sdelay $0x2  }
0x81: {  	s14 =	sshra.s32 s14, $0x2  }
0x82: {  	s13 =	simm.s32 $0x0  }
0x83: {  	v6 =	vadd.s32 s13, v3;
	_ =	sdelay $0x3  }
0x84: {  	[tilespmem:s14+$0x3D40] =	vst v2  }
0x85: {  	v6 =	vld.idx.msk [tilespmem:v6+s10+$0x0], $0xffff;
	_ =	sdelay $0x4  }
0x86: {  	v6 =	vshrl.u32 v6, $0x4  }
0x87: {  	v6 =	vand.u32 $0xFF0, v6  }
0x88: {  	s31 =	simm.s32 $0x1;
	v6 =	vor.u32 v1, v6  }
0x89: {  	s14 =	simm.s32 $0x2;
	v7 =	vadd.s32 s31, v3  }
.LBB2_15:
0x8a: {  	p0 =	sne.s32 s14, $0xC3;
	_ =	sdelay $0x2  }
0x8b: {  	[tilespmem:v6+s8+$0x0] =	vst.idx.add.s32.msk $0xffff, v5  }
0x8c: {  	v6 =	vld.idx.msk [tilespmem:v7+s10+$0x0], $0xffff;
	_ =	sdelay $0x4  }
.Ltmp7:
0x8d: {  	(pc) =	sbr.rel @p0 .LBB2_15-.Ltmp7, $4  }
0x8e: {  	v6 =	vshrl.u32 v6, $0x4  }
0x8f: {  	v6 =	vand.u32 $0xFF0, v6  }
0x90: {  	v6 =	vor.u32 v1, v6  }
0x91: {  	v7 =	vadd.s32 s14, v3;
	s14 =	sadd.s32 $0x1, s14  }
0x92: {  	_ =	sdelay $0x3  }
0x93: {  	[tilespmem:v6+s8+$0x0] =	vst.idx.add.s32.msk $0xffff, v5  }
0x94: {  	v6 =	vld.idx.msk [tilespmem:v7+s10+$0x0], $0xffff;
	_ =	sdelay $0x4  }
0x95: {  	v6 =	vshrl.u32 v6, $0x4  }
0x96: {  	v6 =	vand.u32 $0xFF0, v6  }
0x97: {  	v6 =	vor.u32 v1, v6;
	_ =	sdelay $0x4  }
0x98: {  	s16 =	simm.s32 $0x0;
	[tilespmem:v6+s8+$0x0] =	vst.idx.add.s32.msk $0xffff, v5  }
0x99: {  	v6 =	vld [tilespmem:s16+$0x3D40];
	_ =	sdelay $0x4  }
0x9a: {  	(xrf0) =	vadd.scan.msk.s32 $0xffff, v6;
	_ =	sdelay $0x5  }
0x9b: {  	v7, _, _ =	vpop (xrf0)  }
0x9c: {  	(v2sf) =	vpush v7, $0xF  }
0x9d: {  	v6 =	vsub.s32 s13, v6  }
0x9e: {  	v6 =	vadd.s32 v7, v6  }
0x9f: {  	s14 =	simm.s32 $0x10;
	s15 =	simm.s32 $0x80;
	[tilespmem:s16+$0x3D40] =	vst v6  }
.LBB2_17:
0xa0: {  	p0 =	sne.s32 s15, $0x3FC0;
	v6 =	vld [tilespmem:s14+$0x3D40];
	_ =	sdelay $0x4  }
0xa1: {  	(xrf0) =	vadd.scan.msk.s32 $0xffff, v6;
	_ =	sdelay $0x5  }
.Ltmp8:
0xa2: {  	v7, _, _ =	vpop (xrf0);
	s16 =	spop (v2sf);
	(pc) =	sbr.rel @p0 .LBB2_17-.Ltmp8, $4  }
0xa3: {  	(v2sf) =	vpush v7, $0xF;
	s13 =	sadd.s32 s13, s16  }
0xa4: {  	v6 =	vsub.s32 s13, v6  }
0xa5: {  	v6 =	vadd.s32 v7, v6  }
0xa6: {  	[tilespmem:s14+$0x3D40] =	vst v6;
	s14 =	sshra.s32 s15, $0x2;
	s15 =	sadd.s32 $0x40, s15  }
0xa7: {  	_ =	sdelay $0x1  }
0xa8: {  	v6 =	vld [tilespmem:s14+$0x3D40];
	_ =	sdelay $0x4  }
0xa9: {  	(xrf0) =	vadd.scan.msk.s32 $0xffff, v6;
	_ =	sdelay $0x2  }
0xaa: {  	s15 =	simm.s32 $0x0  }
0xab: {  	v8 =	vadd.s32 s15, v3;
	s29 =	spop (v2sf)  }
0xac: {  	s13 =	sadd.s32 s13, s29  }
0xad: {  	v7, _, _ =	vpop (xrf0);
	v6 =	vsub.s32 s13, v6  }
0xae: {  	v6 =	vadd.s32 v7, v6  }
0xaf: {  	[tilespmem:s14+$0x3D40] =	vst v6  }
0xb0: {  	v10 =	vld.idx.msk [tilespmem:v8+s10+$0x0], $0xffff;
	_ =	sdelay $0x4  }
0xb1: {  	(v2sf) =	vpush v7, $0xF;
	v6 =	vshrl.u32 v10, $0x4  }
0xb2: {  	v6 =	vand.u32 $0xFF0, v6  }
0xb3: {  	v7 =	vor.u32 v1, v6;
	_ =	sdelay $0x4  }
0xb4: {  	v9 =	vld.idx.msk [tilespmem:v7+s8+$0x0], $0xffff;
	_ =	sdelay $0x3  }
0xb5: {  	v6 =	vld.idx.msk [tilespmem:v8+s11+$0x0], $0xffff  }
0xb6: {  	s30 =	simm.s32 $0x1  }
0xb7: {  	v8 =	vadd.s32 s30, v3;
	_ =	sdelay $0x1  }
0xb8: {  	s13 =	simm.s32 $0x2;
	s31 =	spop (v2sf);
	[tilespmem:v9+s7+$0x0] =	vst.idx.msk $0xffff, v10  }
.LBB2_19:
0xb9: {  	p0 =	sne.s32 s13, $0xC3;
	[tilespmem:v9+s9+$0x0] =	vst.idx.msk $0xffff, v6  }
0xba: {  	[tilespmem:v7+s8+$0x0] =	vst.idx.add.s32.msk $0xffff, v5  }
0xbb: {  	v10 =	vld.idx.msk [tilespmem:v8+s10+$0x0], $0xffff  }
0xbc: {  	v6 =	vld.idx.msk [tilespmem:v8+s11+$0x0], $0xffff;
	_ =	sdelay $0x4  }
0xbd: {  	v7 =	vshrl.u32 v10, $0x4  }
0xbe: {  	v7 =	vand.u32 $0xFF0, v7  }
0xbf: {  	v7 =	vor.u32 v1, v7;
	_ =	sdelay $0x4  }
0xc0: {  	v9 =	vld.idx.msk [tilespmem:v7+s8+$0x0], $0xffff;
	_ =	sdelay $0x3  }
.Ltmp9:
0xc1: {  	(pc) =	sbr.rel @p0 .LBB2_19-.Ltmp9, $3  }
0xc2: {  	_ = 	snop  }
0xc3: {  	v8 =	vadd.s32 s13, v3;
	_ =	sdelay $0x1  }
0xc4: {  	s13 =	sadd.s32 $0x1, s13;
	[tilespmem:v9+s7+$0x0] =	vst.idx.msk $0xffff, v10  }
0xc5: {  	_ =	sdelay $0x3  }
0xc6: {  	[tilespmem:v9+s9+$0x0] =	vst.idx.msk $0xffff, v6  }
0xc7: {  	[tilespmem:v7+s8+$0x0] =	vst.idx.add.s32.msk $0xffff, v5  }
0xc8: {  	v6 =	vld.idx.msk [tilespmem:v8+s10+$0x0], $0xffff;
	_ =	sdelay $0x4  }
0xc9: {  	v7 =	vshrl.u32 v6, $0x4  }
0xca: {  	v7 =	vand.u32 $0xFF0, v7  }
0xcb: {  	v7 =	vor.u32 v1, v7;
	_ =	sdelay $0x4  }
0xcc: {  	v9 =	vld.idx.msk [tilespmem:v7+s8+$0x0], $0xffff;
	_ =	sdelay $0x3  }
0xcd: {  	v63 =	vld.idx.msk [tilespmem:v8+s11+$0x0], $0xffff;
	_ =	sdelay $0x3  }
0xce: {  	[tilespmem:v9+s7+$0x0] =	vst.idx.msk $0xffff, v6  }
0xcf: {  	[tilespmem:v9+s9+$0x0] =	vst.idx.msk $0xffff, v63  }
0xd0: {  	s13 =	simm.s32 $0x40;
	s14 =	simm.s32 $0x0;
	[tilespmem:v7+s8+$0x0] =	vst.idx.add.s32.msk $0xffff, v5  }
.LBB2_21:
0xd1: {  	p0 =	sne.s32 s13, $0x3FC0;
	[tilespmem:s14+$0x3D40] =	vst v2;
	s14 =	smov.u32 s13;
	s13 =	sadd.s32 $0x40, s13  }
.Ltmp10:
0xd2: {  	(pc) =	sbr.rel @p0 .LBB2_21-.Ltmp10, $2  }
0xd3: {  	_ =	sdelay $0x2  }
0xd4: {  	s14 =	sshra.s32 s14, $0x2  }
0xd5: {  	s13 =	simm.s32 $0x0  }
0xd6: {  	v6 =	vadd.s32 s13, v3;
	_ =	sdelay $0x3  }
0xd7: {  	[tilespmem:s14+$0x3D40] =	vst v2  }
0xd8: {  	v6 =	vld.idx.msk [tilespmem:v6+s7+$0x0], $0xffff;
	_ =	sdelay $0x4  }
0xd9: {  	v6 =	vshrl.u32 v6, $0xC  }
0xda: {  	v6 =	vand.u32 $0xFF0, v6  }
0xdb: {  	s31 =	simm.s32 $0x1;
	v6 =	vor.u32 v1, v6  }
0xdc: {  	s14 =	simm.s32 $0x2;
	v7 =	vadd.s32 s31, v3  }
.LBB2_23:
0xdd: {  	p0 =	sne.s32 s14, $0xC3;
	_ =	sdelay $0x2  }
0xde: {  	[tilespmem:v6+s8+$0x0] =	vst.idx.add.s32.msk $0xffff, v5  }
0xdf: {  	v6 =	vld.idx.msk [tilespmem:v7+s7+$0x0], $0xffff;
	_ =	sdelay $0x4  }
.Ltmp11:
0xe0: {  	(pc) =	sbr.rel @p0 .LBB2_23-.Ltmp11, $4  }
0xe1: {  	v6 =	vshrl.u32 v6, $0xC  }
0xe2: {  	v6 =	vand.u32 $0xFF0, v6  }
0xe3: {  	v6 =	vor.u32 v1, v6  }
0xe4: {  	v7 =	vadd.s32 s14, v3;
	s14 =	sadd.s32 $0x1, s14  }
0xe5: {  	_ =	sdelay $0x3  }
0xe6: {  	[tilespmem:v6+s8+$0x0] =	vst.idx.add.s32.msk $0xffff, v5  }
0xe7: {  	v6 =	vld.idx.msk [tilespmem:v7+s7+$0x0], $0xffff;
	_ =	sdelay $0x4  }
0xe8: {  	v6 =	vshrl.u32 v6, $0xC  }
0xe9: {  	v6 =	vand.u32 $0xFF0, v6  }
0xea: {  	v6 =	vor.u32 v1, v6;
	_ =	sdelay $0x4  }
0xeb: {  	s16 =	simm.s32 $0x0;
	[tilespmem:v6+s8+$0x0] =	vst.idx.add.s32.msk $0xffff, v5  }
0xec: {  	v6 =	vld [tilespmem:s16+$0x3D40];
	_ =	sdelay $0x4  }
0xed: {  	(xrf0) =	vadd.scan.msk.s32 $0xffff, v6;
	_ =	sdelay $0x5  }
0xee: {  	v7, _, _ =	vpop (xrf0)  }
0xef: {  	(v2sf) =	vpush v7, $0xF  }
0xf0: {  	v6 =	vsub.s32 s13, v6  }
0xf1: {  	v6 =	vadd.s32 v7, v6  }
0xf2: {  	s14 =	simm.s32 $0x10;
	s15 =	simm.s32 $0x80;
	[tilespmem:s16+$0x3D40] =	vst v6  }
.LBB2_25:
0xf3: {  	p0 =	sne.s32 s15, $0x3FC0;
	v6 =	vld [tilespmem:s14+$0x3D40];
	_ =	sdelay $0x4  }
0xf4: {  	(xrf0) =	vadd.scan.msk.s32 $0xffff, v6;
	_ =	sdelay $0x5  }
.Ltmp12:
0xf5: {  	v7, _, _ =	vpop (xrf0);
	s16 =	spop (v2sf);
	(pc) =	sbr.rel @p0 .LBB2_25-.Ltmp12, $4  }
0xf6: {  	(v2sf) =	vpush v7, $0xF;
	s13 =	sadd.s32 s13, s16  }
0xf7: {  	v6 =	vsub.s32 s13, v6  }
0xf8: {  	v6 =	vadd.s32 v7, v6  }
0xf9: {  	[tilespmem:s14+$0x3D40] =	vst v6;
	s14 =	sshra.s32 s15, $0x2;
	s15 =	sadd.s32 $0x40, s15  }
0xfa: {  	_ =	sdelay $0x1  }
0xfb: {  	v6 =	vld [tilespmem:s14+$0x3D40];
	_ =	sdelay $0x4  }
0xfc: {  	(xrf0) =	vadd.scan.msk.s32 $0xffff, v6;
	_ =	sdelay $0x2  }
0xfd: {  	s15 =	simm.s32 $0x0  }
0xfe: {  	v8 =	vadd.s32 s15, v3;
	s29 =	spop (v2sf)  }
0xff: {  	s13 =	sadd.s32 s13, s29  }
0x100: {  	v7, _, _ =	vpop (xrf0);
	v6 =	vsub.s32 s13, v6  }
0x101: {  	v6 =	vadd.s32 v7, v6  }
0x102: {  	[tilespmem:s14+$0x3D40] =	vst v6  }
0x103: {  	v10 =	vld.idx.msk [tilespmem:v8+s7+$0x0], $0xffff;
	_ =	sdelay $0x4  }
0x104: {  	(v2sf) =	vpush v7, $0xF;
	v6 =	vshrl.u32 v10, $0xC  }
0x105: {  	v6 =	vand.u32 $0xFF0, v6  }
0x106: {  	v7 =	vor.u32 v1, v6;
	_ =	sdelay $0x4  }
0x107: {  	v9 =	vld.idx.msk [tilespmem:v7+s8+$0x0], $0xffff;
	_ =	sdelay $0x3  }
0x108: {  	v6 =	vld.idx.msk [tilespmem:v8+s9+$0x0], $0xffff  }
0x109: {  	s30 =	simm.s32 $0x1  }
0x10a: {  	v8 =	vadd.s32 s30, v3;
	_ =	sdelay $0x1  }
0x10b: {  	s13 =	simm.s32 $0x2;
	s31 =	spop (v2sf);
	[tilespmem:v9+s10+$0x0] =	vst.idx.msk $0xffff, v10  }
.LBB2_27:
0x10c: {  	p0 =	sne.s32 s13, $0xC3;
	[tilespmem:v9+s11+$0x0] =	vst.idx.msk $0xffff, v6  }
0x10d: {  	[tilespmem:v7+s8+$0x0] =	vst.idx.add.s32.msk $0xffff, v5  }
0x10e: {  	v10 =	vld.idx.msk [tilespmem:v8+s7+$0x0], $0xffff  }
0x10f: {  	v6 =	vld.idx.msk [tilespmem:v8+s9+$0x0], $0xffff;
	_ =	sdelay $0x4  }
0x110: {  	v7 =	vshrl.u32 v10, $0xC  }
0x111: {  	v7 =	vand.u32 $0xFF0, v7  }
0x112: {  	v7 =	vor.u32 v1, v7;
	_ =	sdelay $0x4  }
0x113: {  	v9 =	vld.idx.msk [tilespmem:v7+s8+$0x0], $0xffff;
	_ =	sdelay $0x3  }
.Ltmp13:
0x114: {  	(pc) =	sbr.rel @p0 .LBB2_27-.Ltmp13, $3  }
0x115: {  	_ = 	snop  }
0x116: {  	v8 =	vadd.s32 s13, v3;
	_ =	sdelay $0x1  }
0x117: {  	s13 =	sadd.s32 $0x1, s13;
	[tilespmem:v9+s10+$0x0] =	vst.idx.msk $0xffff, v10  }
0x118: {  	_ =	sdelay $0x3  }
0x119: {  	[tilespmem:v9+s11+$0x0] =	vst.idx.msk $0xffff, v6  }
0x11a: {  	[tilespmem:v7+s8+$0x0] =	vst.idx.add.s32.msk $0xffff, v5  }
0x11b: {  	v6 =	vld.idx.msk [tilespmem:v8+s7+$0x0], $0xffff;
	_ =	sdelay $0x4  }
0x11c: {  	v7 =	vshrl.u32 v6, $0xC  }
0x11d: {  	v7 =	vand.u32 $0xFF0, v7  }
0x11e: {  	v7 =	vor.u32 v1, v7;
	_ =	sdelay $0x4  }
0x11f: {  	v9 =	vld.idx.msk [tilespmem:v7+s8+$0x0], $0xffff;
	_ =	sdelay $0x3  }
0x120: {  	v63 =	vld.idx.msk [tilespmem:v8+s9+$0x0], $0xffff;
	_ =	sdelay $0x3  }
0x121: {  	[tilespmem:v9+s10+$0x0] =	vst.idx.msk $0xffff, v6  }
0x122: {  	[tilespmem:v9+s11+$0x0] =	vst.idx.msk $0xffff, v63  }
0x123: {  	s13 =	simm.s32 $0x40;
	s14 =	simm.s32 $0x0;
	[tilespmem:v7+s8+$0x0] =	vst.idx.add.s32.msk $0xffff, v5  }
.LBB2_29:
0x124: {  	p0 =	sne.s32 s13, $0x3FC0;
	[tilespmem:s14+$0x3D40] =	vst v2;
	s14 =	smov.u32 s13;
	s13 =	sadd.s32 $0x40, s13  }
.Ltmp14:
0x125: {  	(pc) =	sbr.rel @p0 .LBB2_29-.Ltmp14, $2  }
0x126: {  	_ =	sdelay $0x2  }
0x127: {  	s14 =	sshra.s32 s14, $0x2  }
0x128: {  	s13 =	simm.s32 $0x0  }
0x129: {  	v6 =	vadd.s32 s13, v3;
	_ =	sdelay $0x3  }
0x12a: {  	[tilespmem:s14+$0x3D40] =	vst v2  }
0x12b: {  	v6 =	vld.idx.msk [tilespmem:v6+s10+$0x0], $0xffff;
	_ =	sdelay $0x4  }
0x12c: {  	v6 =	vshrl.u32 v6, $0x14  }
0x12d: {  	v6 =	vand.u32 $0xFF0, v6  }
0x12e: {  	s31 =	simm.s32 $0x1;
	v6 =	vor.u32 v1, v6  }
0x12f: {  	s14 =	simm.s32 $0x2;
	v7 =	vadd.s32 s31, v3  }
.LBB2_31:
0x130: {  	p0 =	sne.s32 s14, $0xC3;
	_ =	sdelay $0x2  }
0x131: {  	[tilespmem:v6+s8+$0x0] =	vst.idx.add.s32.msk $0xffff, v5  }
0x132: {  	v6 =	vld.idx.msk [tilespmem:v7+s10+$0x0], $0xffff;
	_ =	sdelay $0x4  }
.Ltmp15:
0x133: {  	(pc) =	sbr.rel @p0 .LBB2_31-.Ltmp15, $4  }
0x134: {  	v6 =	vshrl.u32 v6, $0x14  }
0x135: {  	v6 =	vand.u32 $0xFF0, v6  }
0x136: {  	v6 =	vor.u32 v1, v6  }
0x137: {  	v7 =	vadd.s32 s14, v3;
	s14 =	sadd.s32 $0x1, s14  }
0x138: {  	_ =	sdelay $0x3  }
0x139: {  	[tilespmem:v6+s8+$0x0] =	vst.idx.add.s32.msk $0xffff, v5  }
0x13a: {  	v6 =	vld.idx.msk [tilespmem:v7+s10+$0x0], $0xffff;
	_ =	sdelay $0x4  }
0x13b: {  	v6 =	vshrl.u32 v6, $0x14  }
0x13c: {  	v6 =	vand.u32 $0xFF0, v6  }
0x13d: {  	v6 =	vor.u32 v1, v6;
	_ =	sdelay $0x4  }
0x13e: {  	s16 =	simm.s32 $0x0;
	[tilespmem:v6+s8+$0x0] =	vst.idx.add.s32.msk $0xffff, v5  }
0x13f: {  	v6 =	vld [tilespmem:s16+$0x3D40];
	_ =	sdelay $0x4  }
0x140: {  	(xrf0) =	vadd.scan.msk.s32 $0xffff, v6;
	_ =	sdelay $0x5  }
0x141: {  	v7, _, _ =	vpop (xrf0)  }
0x142: {  	(v2sf) =	vpush v7, $0xF  }
0x143: {  	v6 =	vsub.s32 s13, v6  }
0x144: {  	v6 =	vadd.s32 v7, v6  }
0x145: {  	s14 =	simm.s32 $0x10;
	s15 =	simm.s32 $0x80;
	[tilespmem:s16+$0x3D40] =	vst v6  }
.LBB2_33:
0x146: {  	p0 =	sne.s32 s15, $0x3FC0;
	v6 =	vld [tilespmem:s14+$0x3D40];
	_ =	sdelay $0x4  }
0x147: {  	(xrf0) =	vadd.scan.msk.s32 $0xffff, v6;
	_ =	sdelay $0x5  }
.Ltmp16:
0x148: {  	v7, _, _ =	vpop (xrf0);
	s16 =	spop (v2sf);
	(pc) =	sbr.rel @p0 .LBB2_33-.Ltmp16, $4  }
0x149: {  	(v2sf) =	vpush v7, $0xF;
	s13 =	sadd.s32 s13, s16  }
0x14a: {  	v6 =	vsub.s32 s13, v6  }
0x14b: {  	v6 =	vadd.s32 v7, v6  }
0x14c: {  	[tilespmem:s14+$0x3D40] =	vst v6;
	s14 =	sshra.s32 s15, $0x2;
	s15 =	sadd.s32 $0x40, s15  }
0x14d: {  	_ =	sdelay $0x1  }
0x14e: {  	v6 =	vld [tilespmem:s14+$0x3D40];
	_ =	sdelay $0x4  }
0x14f: {  	(xrf0) =	vadd.scan.msk.s32 $0xffff, v6;
	_ =	sdelay $0x2  }
0x150: {  	s15 =	simm.s32 $0x0  }
0x151: {  	v8 =	vadd.s32 s15, v3;
	s29 =	spop (v2sf)  }
0x152: {  	s13 =	sadd.s32 s13, s29  }
0x153: {  	v7, _, _ =	vpop (xrf0);
	v6 =	vsub.s32 s13, v6  }
0x154: {  	v6 =	vadd.s32 v7, v6  }
0x155: {  	[tilespmem:s14+$0x3D40] =	vst v6  }
0x156: {  	v10 =	vld.idx.msk [tilespmem:v8+s10+$0x0], $0xffff;
	_ =	sdelay $0x4  }
0x157: {  	(v2sf) =	vpush v7, $0xF;
	v6 =	vshrl.u32 v10, $0x14  }
0x158: {  	v6 =	vand.u32 $0xFF0, v6  }
0x159: {  	v7 =	vor.u32 v1, v6;
	_ =	sdelay $0x4  }
0x15a: {  	v9 =	vld.idx.msk [tilespmem:v7+s8+$0x0], $0xffff;
	_ =	sdelay $0x3  }
0x15b: {  	v6 =	vld.idx.msk [tilespmem:v8+s11+$0x0], $0xffff  }
0x15c: {  	s30 =	simm.s32 $0x1  }
0x15d: {  	v8 =	vadd.s32 s30, v3;
	_ =	sdelay $0x1  }
0x15e: {  	s13 =	simm.s32 $0x2;
	s31 =	spop (v2sf);
	[tilespmem:v9+s7+$0x0] =	vst.idx.msk $0xffff, v10  }
.LBB2_35:
0x15f: {  	p0 =	sne.s32 s13, $0xC3;
	[tilespmem:v9+s9+$0x0] =	vst.idx.msk $0xffff, v6  }
0x160: {  	[tilespmem:v7+s8+$0x0] =	vst.idx.add.s32.msk $0xffff, v5  }
0x161: {  	v10 =	vld.idx.msk [tilespmem:v8+s10+$0x0], $0xffff  }
0x162: {  	v6 =	vld.idx.msk [tilespmem:v8+s11+$0x0], $0xffff;
	_ =	sdelay $0x4  }
0x163: {  	v7 =	vshrl.u32 v10, $0x14  }
0x164: {  	v7 =	vand.u32 $0xFF0, v7  }
0x165: {  	v7 =	vor.u32 v1, v7;
	_ =	sdelay $0x4  }
0x166: {  	v9 =	vld.idx.msk [tilespmem:v7+s8+$0x0], $0xffff;
	_ =	sdelay $0x3  }
.Ltmp17:
0x167: {  	(pc) =	sbr.rel @p0 .LBB2_35-.Ltmp17, $3  }
0x168: {  	_ = 	snop  }
0x169: {  	v8 =	vadd.s32 s13, v3;
	_ =	sdelay $0x1  }
0x16a: {  	s13 =	sadd.s32 $0x1, s13;
	[tilespmem:v9+s7+$0x0] =	vst.idx.msk $0xffff, v10  }
0x16b: {  	_ =	sdelay $0x3  }
0x16c: {  	[tilespmem:v9+s9+$0x0] =	vst.idx.msk $0xffff, v6  }
0x16d: {  	[tilespmem:v7+s8+$0x0] =	vst.idx.add.s32.msk $0xffff, v5  }
0x16e: {  	v6 =	vld.idx.msk [tilespmem:v8+s10+$0x0], $0xffff;
	_ =	sdelay $0x4  }
0x16f: {  	v7 =	vshrl.u32 v6, $0x14  }
0x170: {  	v7 =	vand.u32 $0xFF0, v7  }
0x171: {  	v7 =	vor.u32 v1, v7;
	_ =	sdelay $0x4  }
0x172: {  	v9 =	vld.idx.msk [tilespmem:v7+s8+$0x0], $0xffff;
	_ =	sdelay $0x3  }
0x173: {  	v63 =	vld.idx.msk [tilespmem:v8+s11+$0x0], $0xffff;
	_ =	sdelay $0x3  }
0x174: {  	s12 =	sadd.s32 $0x1, s12;
	[tilespmem:v9+s7+$0x0] =	vst.idx.msk $0xffff, v6  }
0x175: {  	p0 =	sne.s32 s12, s5;
	[tilespmem:v9+s9+$0x0] =	vst.idx.msk $0xffff, v63  }
.Ltmp18:
0x176: {  	[tilespmem:v7+s8+$0x0] =	vst.idx.add.s32.msk $0xffff, v5;
	(pc) =	sbr.rel @p0 .LBB2_2-.Ltmp18, $4  }
0x177: {  	[hbm4b:s3+s2] =	stream.linear.scatter [tilespmem:s9], [sflag:$0x1], $0x930, $0x38;
	[tilespmem:$0x4D40] =	vst v63  }
0x178: {  	_ =	swait.ge [sflag:s6], $0x930  }
0x179: {  	[sflag:s6] =	ssyncset.done $0x0  }
0x17a: {  	[sflag:s6] =	ssyncadd.s32 $0xFFFFF6D0  }
.LBB2_37:
0x17b: {  	_ =	sfence.sel $0x180000  }
0x17c: {  	[bflag:$0x0] =	sbarrier.arrive $0xFFFF  }
0x17d: {  	p0 =	sne.s32 s1, $0x0;
	_ =	strace $0x90000047  }
0x17e: {  	s0 =	sadd.s32 @!p0 $0x100000, s0;
	[bflag:$0x2] =	sbarrier.arrive $0xFFFF  }
0x17f: {  	[sflag:s0] =	ssyncadd.tile.s32 @!p0 $0x1;
	_ =	shalt  }
.Lfunc_end2:
_tile_overlayer_lowered:
.L_overlay_start_2:
0x180: {  	(tag) =	ssettag $0x2  }
0x181: {  	s0 =	rddreg [dreg:$0x0];
	s2 =	stileid.u32  }
0x182: {  	s1 =	rddreg [dreg:$0x1];
	p0 =	sne.s32 s2, $0x0  }
0x183: {  	s3 =	rddreg [dreg:$0x2];
	[bflag:$0x3] =	sbarrier.arrive $0xFFFF;
	s2 =	simm.s32 @!p0 $0x1C01  }
0x184: {  	[timem:s3], [sflag:s2] =	dma.local @!p0 [hbm:s0], s1  }
0x185: {  	s0 =	simm.s32 @!p0 $0x1  }
0x186: {  	_ =	swait.ge @!p0 [sflag:s0], s1  }
0x187: {  	s1 =	ssub.s32 @!p0 $0x0, s1;
	[sflag:s0] =	ssyncset.done @!p0 $0x0  }
0x188: {  	[sflag:s0] =	ssyncadd.s32 @!p0 s1  }
0x189: {  	[bflag:$0x3] =	sbarrier.arrive $0xFFFF  }
0x18a: {  	_ =	shalt  }

</sc_bundles>
